<compile_context>
chip_gen: v7x
topology: tpu7x:2x2x1
jax: 0.10.2.dev20260603
libtpu: 0.0.44.dev20260713+nightly
codegen_flags: <defaults>
</compile_context>

<pallas_src>
import functools

import jax
import jax.numpy as jnp
from jax import lax
from jax.experimental import pallas as pl
from jax.experimental.pallas import tpu as pltpu
from jax.experimental.pallas import tpu_sc as plsc

_NC = 2
_NS = 16
_NBUF = 3
_RA = 2


def kernel(hidden_states, position_embeddings):
    B, S, D = hidden_states.shape
    assert position_embeddings.shape == (S, D)
    NW = _NC * _NS
    rows_per_w = S // NW
    CH = 32
    n_ch = rows_per_w // CH
    mesh = plsc.VectorSubcoreMesh(core_axis_name="c", subcore_axis_name="s")

    @functools.partial(
        pl.kernel,
        mesh=mesh,
        out_type=jax.ShapeDtypeStruct((B, S, D), jnp.float32),
        scratch_types=[
            *([pltpu.VMEM((CH, D), jnp.float32)] * _NBUF),
            pltpu.SemaphoreType.DMA,
            *([pltpu.SemaphoreType.DMA] * _NBUF),
        ],
    )
    def sc_bcast(table_hbm, out_hbm, *rest):
        bufs = rest[:_NBUF]
        rsem = rest[_NBUF]
        wsems = rest[_NBUF + 1:]
        wid = lax.axis_index("s") * _NC + lax.axis_index("c")
        base = wid * rows_per_w

        def rd(i):
            return pltpu.make_async_copy(
                table_hbm.at[pl.ds(base + i * CH, CH)], bufs[i % _NBUF], rsem
            )

        def wr(i, b):
            return pltpu.make_async_copy(
                bufs[i % _NBUF],
                out_hbm.at[b, pl.ds(base + i * CH, CH)],
                wsems[i % _NBUF],
            )

        for i in range(min(_RA, n_ch)):
            rd(i).start()
        for i in range(n_ch):
            rd(i).wait()
            if i + _RA < n_ch:
                j = i + _RA - _NBUF
                if j >= 0:
                    for b in range(B):
                        wr(j, b).wait()
                rd(i + _RA).start()
            for b in range(B):
                wr(i, b).start()
        for i in range(max(0, n_ch - _NBUF), n_ch):
            for b in range(B):
                wr(i, b).wait()

    return sc_bcast(position_embeddings)

# --- scband reference (transcript-rebuilt; emitter-appended) ---
"""Pipeline reference for scband-learned-positional-embedding-30846455120306 (READ-ONLY COPY).

The authoritative reference and input builder live on the scoring server;
editing this copy changes nothing except your own understanding.
"""

import jax, jax.numpy as jnp
import numpy as np


def setup_inputs(seed: int = 0) -> dict:
    key = jax.random.key(seed)
    k1, k2 = jax.random.split(key)
    hidden_states = jax.random.normal(k1, (4, 8192, 1024), dtype=jnp.float32)
    # learned parameter: position embedding table [max_position_embeddings, embedding_size]
    position_embeddings = jax.random.normal(k2, (8192, 1024), dtype=jnp.float32) * 0.02
    return {"hidden_states": hidden_states, "position_embeddings": position_embeddings}


def reference(hidden_states, position_embeddings):
    # Faithful translation of LearnedPositionalEmbedding.call
    B = hidden_states.shape[0]
    S = hidden_states.shape[1]
    position_ids = jnp.arange(S)[None, :]  # [1, S]
    position_embeds = jnp.take(position_embeddings, position_ids, axis=0)  # [1, S, D]
    position_embeds = jnp.tile(position_embeds, (B, 1, 1))  # [B, S, D]
    return position_embeds

if __name__ == "__main__":
    import jax
    _d = setup_inputs()
    print(jax.jit(kernel)(*tuple(_d.values())))

</pallas_src>

<mosaic_0001>
#map = affine_map<(d0, d1) -> (0, 0)>
#map1 = affine_map<(d0, d1) -> (0, 0, 0)>
module attributes {stable_mosaic.version = 14 : i64} {
  func.func @sc_bcast(%arg0: i32, %arg1: i32, %arg2: memref<8192x1024xf32, #tpu.memory_space<hbm>>, %arg3: memref<4x8192x1024xf32, #tpu.memory_space<hbm>>, %arg4: memref<32x1024xf32, #tpu.memory_space<vmem>>, %arg5: memref<32x1024xf32, #tpu.memory_space<vmem>>, %arg6: memref<32x1024xf32, #tpu.memory_space<vmem>>, %arg7: memref<!tpu.dma_semaphore, #tpu.memory_space<semaphore_mem>>, %arg8: memref<!tpu.dma_semaphore, #tpu.memory_space<semaphore_mem>>, %arg9: memref<!tpu.dma_semaphore, #tpu.memory_space<semaphore_mem>>, %arg10: memref<!tpu.dma_semaphore, #tpu.memory_space<semaphore_mem>>) attributes {dimension_semantics = [#tpu.dimension_semantics<core_parallel>, #tpu.dimension_semantics<subcore_parallel>], iteration_bounds = array<i64: 2, 16>, scalar_prefetch = 0 : i64, scratch_operands = 7 : i64, tpu.core_type = #tpu.core_type<sc_vector_subcore>, window_params = [{transform_indices = #map}, {transform_indices = #map1}]} {
    %mul3A = arith.constant 2 : i32
    %mul3A_0 = arith.muli %arg1, %mul3A : i32
    %add3A = arith.addi %mul3A_0, %arg0 : i32
    %mul3A_1 = arith.constant 256 : i32
    %mul3A_2 = arith.muli %add3A, %mul3A_1 : i32
    %add3A_3 = arith.constant 0 : i32
    %add3A_4 = arith.addi %mul3A_2, %add3A_3 : i32
    %dma_start3A = arith.constant 0 : i32
    %dma_start3A_5 = tpu.memref_slice %arg2[%add3A_4, %dma_start3A] : memref<8192x1024xf32, #tpu.memory_space<hbm>> -> memref<32x1024xf32, #tpu.memory_space<hbm>>
    %dma_start3A_6 = arith.constant 0 : i32
    %dma_start3A_7 = tpu.memref_slice %arg2[%add3A_4, %dma_start3A_6] : memref<8192x1024xf32, #tpu.memory_space<hbm>> -> memref<32x1024xf32, #tpu.memory_space<hbm>>
    tpu.enqueue_dma source(%dma_start3A_7 : memref<32x1024xf32, #tpu.memory_space<hbm>>) target(%arg4 : memref<32x1024xf32, #tpu.memory_space<vmem>>) target_semaphore(%arg7 : memref<!tpu.dma_semaphore, #tpu.memory_space<semaphore_mem>>)
    %add3A_8 = arith.constant 32 : i32
    %add3A_9 = arith.addi %mul3A_2, %add3A_8 : i32
    %dma_start3A_10 = arith.constant 0 : i32
    %dma_start3A_11 = tpu.memref_slice %arg2[%add3A_9, %dma_start3A_10] : memref<8192x1024xf32, #tpu.memory_space<hbm>> -> memref<32x1024xf32, #tpu.memory_space<hbm>>
    %dma_start3A_12 = arith.constant 0 : i32
    %dma_start3A_13 = tpu.memref_slice %arg2[%add3A_9, %dma_start3A_12] : memref<8192x1024xf32, #tpu.memory_space<hbm>> -> memref<32x1024xf32, #tpu.memory_space<hbm>>
    tpu.enqueue_dma source(%dma_start3A_13 : memref<32x1024xf32, #tpu.memory_space<hbm>>) target(%arg5 : memref<32x1024xf32, #tpu.memory_space<vmem>>) target_semaphore(%arg7 : memref<!tpu.dma_semaphore, #tpu.memory_space<semaphore_mem>>)
    %add3A_14 = arith.constant 0 : i32
    %add3A_15 = arith.addi %mul3A_2, %add3A_14 : i32
    %dma_wait3A = arith.constant 0 : i32
    %dma_wait3A_16 = tpu.memref_slice %arg2[%add3A_15, %dma_wait3A] : memref<8192x1024xf32, #tpu.memory_space<hbm>> -> memref<32x1024xf32, #tpu.memory_space<hbm>>
    %dma_wait3A_17 = arith.constant 0 : i32
    %dma_wait3A_18 = tpu.memref_slice %arg2[%add3A_15, %dma_wait3A_17] : memref<8192x1024xf32, #tpu.memory_space<hbm>> -> memref<32x1024xf32, #tpu.memory_space<hbm>>
    tpu.wait_dma2 semaphore(%arg7 : memref<!tpu.dma_semaphore, #tpu.memory_space<semaphore_mem>>) src(%dma_wait3A_18 : memref<32x1024xf32, #tpu.memory_space<hbm>>) dst(%arg4 : memref<32x1024xf32, #tpu.memory_space<vmem>>)
    %add3A_19 = arith.constant 64 : i32
    %add3A_20 = arith.addi %mul3A_2, %add3A_19 : i32
    %dma_start3A_21 = arith.constant 0 : i32
    %dma_start3A_22 = tpu.memref_slice %arg2[%add3A_20, %dma_start3A_21] : memref<8192x1024xf32, #tpu.memory_space<hbm>> -> memref<32x1024xf32, #tpu.memory_space<hbm>>
    %dma_start3A_23 = arith.constant 0 : i32
    %dma_start3A_24 = tpu.memref_slice %arg2[%add3A_20, %dma_start3A_23] : memref<8192x1024xf32, #tpu.memory_space<hbm>> -> memref<32x1024xf32, #tpu.memory_space<hbm>>
    tpu.enqueue_dma source(%dma_start3A_24 : memref<32x1024xf32, #tpu.memory_space<hbm>>) target(%arg6 : memref<32x1024xf32, #tpu.memory_space<vmem>>) target_semaphore(%arg7 : memref<!tpu.dma_semaphore, #tpu.memory_space<semaphore_mem>>)
    %add3A_25 = arith.constant 0 : i32
    %add3A_26 = arith.addi %mul3A_2, %add3A_25 : i32
    %dma_start3A_27 = arith.constant 0 : i32
    %dma_start3A_28 = arith.constant 0 : i32
    %dma_start3A_29 = tpu.memref_slice %arg3[%dma_start3A_27, %add3A_26, %dma_start3A_28] : memref<4x8192x1024xf32, #tpu.memory_space<hbm>> -> memref<1x32x1024xf32, #tpu.memory_space<hbm>>
    %dma_start3A_30 = tpu.memref_squeeze %dma_start3A_29 : memref<1x32x1024xf32, #tpu.memory_space<hbm>> -> memref<32x1024xf32, #tpu.memory_space<hbm>>
    %dma_start3A_31 = arith.constant 0 : i32
    %dma_start3A_32 = tpu.memref_slice %arg3[%dma_start3A_27, %add3A_26, %dma_start3A_31] : memref<4x8192x1024xf32, #tpu.memory_space<hbm>> -> memref<1x32x1024xf32, #tpu.memory_space<hbm>>
    %dma_start3A_33 = tpu.memref_squeeze %dma_start3A_32 : memref<1x32x1024xf32, #tpu.memory_space<hbm>> -> memref<32x1024xf32, #tpu.memory_space<hbm>>
    tpu.enqueue_dma source(%arg4 : memref<32x1024xf32, #tpu.memory_space<vmem>>) target(%dma_start3A_33 : memref<32x1024xf32, #tpu.memory_space<hbm>>) target_semaphore(%arg8 : memref<!tpu.dma_semaphore, #tpu.memory_space<semaphore_mem>>)
    %add3A_34 = arith.constant 0 : i32
    %add3A_35 = arith.addi %mul3A_2, %add3A_34 : i32
    %dma_start3A_36 = arith.constant 1 : i32
    %dma_start3A_37 = arith.constant 0 : i32
    %dma_start3A_38 = tpu.memref_slice %arg3[%dma_start3A_36, %add3A_35, %dma_start3A_37] : memref<4x8192x1024xf32, #tpu.memory_space<hbm>> -> memref<1x32x1024xf32, #tpu.memory_space<hbm>>
    %dma_start3A_39 = tpu.memref_squeeze %dma_start3A_38 : memref<1x32x1024xf32, #tpu.memory_space<hbm>> -> memref<32x1024xf32, #tpu.memory_space<hbm>>
    %dma_start3A_40 = arith.constant 0 : i32
    %dma_start3A_41 = tpu.memref_slice %arg3[%dma_start3A_36, %add3A_35, %dma_start3A_40] : memref<4x8192x1024xf32, #tpu.memory_space<hbm>> -> memref<1x32x1024xf32, #tpu.memory_space<hbm>>
    %dma_start3A_42 = tpu.memref_squeeze %dma_start3A_41 : memref<1x32x1024xf32, #tpu.memory_space<hbm>> -> memref<32x1024xf32, #tpu.memory_space<hbm>>
    tpu.enqueue_dma source(%arg4 : memref<32x1024xf32, #tpu.memory_space<vmem>>) target(%dma_start3A_42 : memref<32x1024xf32, #tpu.memory_space<hbm>>) target_semaphore(%arg8 : memref<!tpu.dma_semaphore, #tpu.memory_space<semaphore_mem>>)
    %add3A_43 = arith.constant 0 : i32
    %add3A_44 = arith.addi %mul3A_2, %add3A_43 : i32
    %dma_start3A_45 = arith.constant 2 : i32
    %dma_start3A_46 = arith.constant 0 : i32
    %dma_start3A_47 = tpu.memref_slice %arg3[%dma_start3A_45, %add3A_44, %dma_start3A_46] : memref<4x8192x1024xf32, #tpu.memory_space<hbm>> -> memref<1x32x1024xf32, #tpu.memory_space<hbm>>
    %dma_start3A_48 = tpu.memref_squeeze %dma_start3A_47 : memref<1x32x1024xf32, #tpu.memory_space<hbm>> -> memref<32x1024xf32, #tpu.memory_space<hbm>>
    %dma_start3A_49 = arith.constant 0 : i32
    %dma_start3A_50 = tpu.memref_slice %arg3[%dma_start3A_45, %add3A_44, %dma_start3A_49] : memref<4x8192x1024xf32, #tpu.memory_space<hbm>> -> memref<1x32x1024xf32, #tpu.memory_space<hbm>>
    %dma_start3A_51 = tpu.memref_squeeze %dma_start3A_50 : memref<1x32x1024xf32, #tpu.memory_space<hbm>> -> memref<32x1024xf32, #tpu.memory_space<hbm>>
    tpu.enqueue_dma source(%arg4 : memref<32x1024xf32, #tpu.memory_space<vmem>>) target(%dma_start3A_51 : memref<32x1024xf32, #tpu.memory_space<hbm>>) target_semaphore(%arg8 : memref<!tpu.dma_semaphore, #tpu.memory_space<semaphore_mem>>)
    %add3A_52 = arith.constant 0 : i32
    %add3A_53 = arith.addi %mul3A_2, %add3A_52 : i32
    %dma_start3A_54 = arith.constant 3 : i32
    %dma_start3A_55 = arith.constant 0 : i32
    %dma_start3A_56 = tpu.memref_slice %arg3[%dma_start3A_54, %add3A_53, %dma_start3A_55] : memref<4x8192x1024xf32, #tpu.memory_space<hbm>> -> memref<1x32x1024xf32, #tpu.memory_space<hbm>>
    %dma_start3A_57 = tpu.memref_squeeze %dma_start3A_56 : memref<1x32x1024xf32, #tpu.memory_space<hbm>> -> memref<32x1024xf32, #tpu.memory_space<hbm>>
    %dma_start3A_58 = arith.constant 0 : i32
    %dma_start3A_59 = tpu.memref_slice %arg3[%dma_start3A_54, %add3A_53, %dma_start3A_58] : memref<4x8192x1024xf32, #tpu.memory_space<hbm>> -> memref<1x32x1024xf32, #tpu.memory_space<hbm>>
    %dma_start3A_60 = tpu.memref_squeeze %dma_start3A_59 : memref<1x32x1024xf32, #tpu.memory_space<hbm>> -> memref<32x1024xf32, #tpu.memory_space<hbm>>
    tpu.enqueue_dma source(%arg4 : memref<32x1024xf32, #tpu.memory_space<vmem>>) target(%dma_start3A_60 : memref<32x1024xf32, #tpu.memory_space<hbm>>) target_semaphore(%arg8 : memref<!tpu.dma_semaphore, #tpu.memory_space<semaphore_mem>>)
    %add3A_61 = arith.constant 32 : i32
    %add3A_62 = arith.addi %mul3A_2, %add3A_61 : i32
    %dma_wait3A_63 = arith.constant 0 : i32
    %dma_wait3A_64 = tpu.memref_slice %arg2[%add3A_62, %dma_wait3A_63] : memref<8192x1024xf32, #tpu.memory_space<hbm>> -> memref<32x1024xf32, #tpu.memory_space<hbm>>
    %dma_wait3A_65 = arith.constant 0 : i32
    %dma_wait3A_66 = tpu.memref_slice %arg2[%add3A_62, %dma_wait3A_65] : memref<8192x1024xf32, #tpu.memory_space<hbm>> -> memref<32x1024xf32, #tpu.memory_space<hbm>>
    tpu.wait_dma2 semaphore(%arg7 : memref<!tpu.dma_semaphore, #tpu.memory_space<semaphore_mem>>) src(%dma_wait3A_66 : memref<32x1024xf32, #tpu.memory_space<hbm>>) dst(%arg5 : memref<32x1024xf32, #tpu.memory_space<vmem>>)
    %add3A_67 = arith.constant 0 : i32
    %add3A_68 = arith.addi %mul3A_2, %add3A_67 : i32
    %dma_wait3A_69 = arith.constant 0 : i32
    %dma_wait3A_70 = arith.constant 0 : i32
    %dma_wait3A_71 = tpu.memref_slice %arg3[%dma_wait3A_69, %add3A_68, %dma_wait3A_70] : memref<4x8192x1024xf32, #tpu.memory_space<hbm>> -> memref<1x32x1024xf32, #tpu.memory_space<hbm>>
    %dma_wait3A_72 = tpu.memref_squeeze %dma_wait3A_71 : memref<1x32x1024xf32, #tpu.memory_space<hbm>> -> memref<32x1024xf32, #tpu.memory_space<hbm>>
    %dma_wait3A_73 = arith.constant 0 : i32
    %dma_wait3A_74 = tpu.memref_slice %arg3[%dma_wait3A_69, %add3A_68, %dma_wait3A_73] : memref<4x8192x1024xf32, #tpu.memory_space<hbm>> -> memref<1x32x1024xf32, #tpu.memory_space<hbm>>
    %dma_wait3A_75 = tpu.memref_squeeze %dma_wait3A_74 : memref<1x32x1024xf32, #tpu.memory_space<hbm>> -> memref<32x1024xf32, #tpu.memory_space<hbm>>
    tpu.wait_dma2 semaphore(%arg8 : memref<!tpu.dma_semaphore, #tpu.memory_space<semaphore_mem>>) src(%arg4 : memref<32x1024xf32, #tpu.memory_space<vmem>>) dst(%dma_wait3A_75 : memref<32x1024xf32, #tpu.memory_space<hbm>>)
    %add3A_76 = arith.constant 0 : i32
    %add3A_77 = arith.addi %mul3A_2, %add3A_76 : i32
    %dma_wait3A_78 = arith.constant 1 : i32
    %dma_wait3A_79 = arith.constant 0 : i32
    %dma_wait3A_80 = tpu.memref_slice %arg3[%dma_wait3A_78, %add3A_77, %dma_wait3A_79] : memref<4x8192x1024xf32, #tpu.memory_space<hbm>> -> memref<1x32x1024xf32, #tpu.memory_space<hbm>>
    %dma_wait3A_81 = tpu.memref_squeeze %dma_wait3A_80 : memref<1x32x1024xf32, #tpu.memory_space<hbm>> -> memref<32x1024xf32, #tpu.memory_space<hbm>>
    %dma_wait3A_82 = arith.constant 0 : i32
    %dma_wait3A_83 = tpu.memref_slice %arg3[%dma_wait3A_78, %add3A_77, %dma_wait3A_82] : memref<4x8192x1024xf32, #tpu.memory_space<hbm>> -> memref<1x32x1024xf32, #tpu.memory_space<hbm>>
    %dma_wait3A_84 = tpu.memref_squeeze %dma_wait3A_83 : memref<1x32x1024xf32, #tpu.memory_space<hbm>> -> memref<32x1024xf32, #tpu.memory_space<hbm>>
    tpu.wait_dma2 semaphore(%arg8 : memref<!tpu.dma_semaphore, #tpu.memory_space<semaphore_mem>>) src(%arg4 : memref<32x1024xf32, #tpu.memory_space<vmem>>) dst(%dma_wait3A_84 : memref<32x1024xf32, #tpu.memory_space<hbm>>)
    %add3A_85 = arith.constant 0 : i32
    %add3A_86 = arith.addi %mul3A_2, %add3A_85 : i32
    %dma_wait3A_87 = arith.constant 2 : i32
    %dma_wait3A_88 = arith.constant 0 : i32
    %dma_wait3A_89 = tpu.memref_slice %arg3[%dma_wait3A_87, %add3A_86, %dma_wait3A_88] : memref<4x8192x1024xf32, #tpu.memory_space<hbm>> -> memref<1x32x1024xf32, #tpu.memory_space<hbm>>
    %dma_wait3A_90 = tpu.memref_squeeze %dma_wait3A_89 : memref<1x32x1024xf32, #tpu.memory_space<hbm>> -> memref<32x1024xf32, #tpu.memory_space<hbm>>
    %dma_wait3A_91 = arith.constant 0 : i32
    %dma_wait3A_92 = tpu.memref_slice %arg3[%dma_wait3A_87, %add3A_86, %dma_wait3A_91] : memref<4x8192x1024xf32, #tpu.memory_space<hbm>> -> memref<1x32x1024xf32, #tpu.memory_space<hbm>>
    %dma_wait3A_93 = tpu.memref_squeeze %dma_wait3A_92 : memref<1x32x1024xf32, #tpu.memory_space<hbm>> -> memref<32x1024xf32, #tpu.memory_space<hbm>>
    tpu.wait_dma2 semaphore(%arg8 : memref<!tpu.dma_semaphore, #tpu.memory_space<semaphore_mem>>) src(%arg4 : memref<32x1024xf32, #tpu.memory_space<vmem>>) dst(%dma_wait3A_93 : memref<32x1024xf32, #tpu.memory_space<hbm>>)
    %add3A_94 = arith.constant 0 : i32
    %add3A_95 = arith.addi %mul3A_2, %add3A_94 : i32
    %dma_wait3A_96 = arith.constant 3 : i32
    %dma_wait3A_97 = arith.constant 0 : i32
    %dma_wait3A_98 = tpu.memref_slice %arg3[%dma_wait3A_96, %add3A_95, %dma_wait3A_97] : memref<4x8192x1024xf32, #tpu.memory_space<hbm>> -> memref<1x32x1024xf32, #tpu.memory_space<hbm>>
    %dma_wait3A_99 = tpu.memref_squeeze %dma_wait3A_98 : memref<1x32x1024xf32, #tpu.memory_space<hbm>> -> memref<32x1024xf32, #tpu.memory_space<hbm>>
    %dma_wait3A_100 = arith.constant 0 : i32
    %dma_wait3A_101 = tpu.memref_slice %arg3[%dma_wait3A_96, %add3A_95, %dma_wait3A_100] : memref<4x8192x1024xf32, #tpu.memory_space<hbm>> -> memref<1x32x1024xf32, #tpu.memory_space<hbm>>
    %dma_wait3A_102 = tpu.memref_squeeze %dma_wait3A_101 : memref<1x32x1024xf32, #tpu.memory_space<hbm>> -> memref<32x1024xf32, #tpu.memory_space<hbm>>
    tpu.wait_dma2 semaphore(%arg8 : memref<!tpu.dma_semaphore, #tpu.memory_space<semaphore_mem>>) src(%arg4 : memref<32x1024xf32, #tpu.memory_space<vmem>>) dst(%dma_wait3A_102 : memref<32x1024xf32, #tpu.memory_space<hbm>>)
    %add3A_103 = arith.constant 96 : i32
    %add3A_104 = arith.addi %mul3A_2, %add3A_103 : i32
    %dma_start3A_105 = arith.constant 0 : i32
    %dma_start3A_106 = tpu.memref_slice %arg2[%add3A_104, %dma_start3A_105] : memref<8192x1024xf32, #tpu.memory_space<hbm>> -> memref<32x1024xf32, #tpu.memory_space<hbm>>
    %dma_start3A_107 = arith.constant 0 : i32
    %dma_start3A_108 = tpu.memref_slice %arg2[%add3A_104, %dma_start3A_107] : memref<8192x1024xf32, #tpu.memory_space<hbm>> -> memref<32x1024xf32, #tpu.memory_space<hbm>>
    tpu.enqueue_dma source(%dma_start3A_108 : memref<32x1024xf32, #tpu.memory_space<hbm>>) target(%arg4 : memref<32x1024xf32, #tpu.memory_space<vmem>>) target_semaphore(%arg7 : memref<!tpu.dma_semaphore, #tpu.memory_space<semaphore_mem>>)
    %add3A_109 = arith.constant 32 : i32
    %add3A_110 = arith.addi %mul3A_2, %add3A_109 : i32
    %dma_start3A_111 = arith.constant 0 : i32
    %dma_start3A_112 = arith.constant 0 : i32
    %dma_start3A_113 = tpu.memref_slice %arg3[%dma_start3A_111, %add3A_110, %dma_start3A_112] : memref<4x8192x1024xf32, #tpu.memory_space<hbm>> -> memref<1x32x1024xf32, #tpu.memory_space<hbm>>
    %dma_start3A_114 = tpu.memref_squeeze %dma_start3A_113 : memref<1x32x1024xf32, #tpu.memory_space<hbm>> -> memref<32x1024xf32, #tpu.memory_space<hbm>>
    %dma_start3A_115 = arith.constant 0 : i32
    %dma_start3A_116 = tpu.memref_slice %arg3[%dma_start3A_111, %add3A_110, %dma_start3A_115] : memref<4x8192x1024xf32, #tpu.memory_space<hbm>> -> memref<1x32x1024xf32, #tpu.memory_space<hbm>>
    %dma_start3A_117 = tpu.memref_squeeze %dma_start3A_116 : memref<1x32x1024xf32, #tpu.memory_space<hbm>> -> memref<32x1024xf32, #tpu.memory_space<hbm>>
    tpu.enqueue_dma source(%arg5 : memref<32x1024xf32, #tpu.memory_space<vmem>>) target(%dma_start3A_117 : memref<32x1024xf32, #tpu.memory_space<hbm>>) target_semaphore(%arg9 : memref<!tpu.dma_semaphore, #tpu.memory_space<semaphore_mem>>)
    %add3A_118 = arith.constant 32 : i32
    %add3A_119 = arith.addi %mul3A_2, %add3A_118 : i32
    %dma_start3A_120 = arith.constant 1 : i32
    %dma_start3A_121 = arith.constant 0 : i32
    %dma_start3A_122 = tpu.memref_slice %arg3[%dma_start3A_120, %add3A_119, %dma_start3A_121] : memref<4x8192x1024xf32, #tpu.memory_space<hbm>> -> memref<1x32x1024xf32, #tpu.memory_space<hbm>>
    %dma_start3A_123 = tpu.memref_squeeze %dma_start3A_122 : memref<1x32x1024xf32, #tpu.memory_space<hbm>> -> memref<32x1024xf32, #tpu.memory_space<hbm>>
    %dma_start3A_124 = arith.constant 0 : i32
    %dma_start3A_125 = tpu.memref_slice %arg3[%dma_start3A_120, %add3A_119, %dma_start3A_124] : memref<4x8192x1024xf32, #tpu.memory_space<hbm>> -> memref<1x32x1024xf32, #tpu.memory_space<hbm>>
    %dma_start3A_126 = tpu.memref_squeeze %dma_start3A_125 : memref<1x32x1024xf32, #tpu.memory_space<hbm>> -> memref<32x1024xf32, #tpu.memory_space<hbm>>
    tpu.enqueue_dma source(%arg5 : memref<32x1024xf32, #tpu.memory_space<vmem>>) target(%dma_start3A_126 : memref<32x1024xf32, #tpu.memory_space<hbm>>) target_semaphore(%arg9 : memref<!tpu.dma_semaphore, #tpu.memory_space<semaphore_mem>>)
    %add3A_127 = arith.constant 32 : i32
    %add3A_128 = arith.addi %mul3A_2, %add3A_127 : i32
    %dma_start3A_129 = arith.constant 2 : i32
    %dma_start3A_130 = arith.constant 0 : i32
    %dma_start3A_131 = tpu.memref_slice %arg3[%dma_start3A_129, %add3A_128, %dma_start3A_130] : memref<4x8192x1024xf32, #tpu.memory_space<hbm>> -> memref<1x32x1024xf32, #tpu.memory_space<hbm>>
    %dma_start3A_132 = tpu.memref_squeeze %dma_start3A_131 : memref<1x32x1024xf32, #tpu.memory_space<hbm>> -> memref<32x1024xf32, #tpu.memory_space<hbm>>
    %dma_start3A_133 = arith.constant 0 : i32
    %dma_start3A_134 = tpu.memref_slice %arg3[%dma_start3A_129, %add3A_128, %dma_start3A_133] : memref<4x8192x1024xf32, #tpu.memory_space<hbm>> -> memref<1x32x1024xf32, #tpu.memory_space<hbm>>
    %dma_start3A_135 = tpu.memref_squeeze %dma_start3A_134 : memref<1x32x1024xf32, #tpu.memory_space<hbm>> -> memref<32x1024xf32, #tpu.memory_space<hbm>>
    tpu.enqueue_dma source(%arg5 : memref<32x1024xf32, #tpu.memory_space<vmem>>) target(%dma_start3A_135 : memref<32x1024xf32, #tpu.memory_space<hbm>>) target_semaphore(%arg9 : memref<!tpu.dma_semaphore, #tpu.memory_space<semaphore_mem>>)
    %add3A_136 = arith.constant 32 : i32
    %add3A_137 = arith.addi %mul3A_2, %add3A_136 : i32
    %dma_start3A_138 = arith.constant 3 : i32
    %dma_start3A_139 = arith.constant 0 : i32
    %dma_start3A_140 = tpu.memref_slice %arg3[%dma_start3A_138, %add3A_137, %dma_start3A_139] : memref<4x8192x1024xf32, #tpu.memory_space<hbm>> -> memref<1x32x1024xf32, #tpu.memory_space<hbm>>
    %dma_start3A_141 = tpu.memref_squeeze %dma_start3A_140 : memref<1x32x1024xf32, #tpu.memory_space<hbm>> -> memref<32x1024xf32, #tpu.memory_space<hbm>>
    %dma_start3A_142 = arith.constant 0 : i32
    %dma_start3A_143 = tpu.memref_slice %arg3[%dma_start3A_138, %add3A_137, %dma_start3A_142] : memref<4x8192x1024xf32, #tpu.memory_space<hbm>> -> memref<1x32x1024xf32, #tpu.memory_space<hbm>>
    %dma_start3A_144 = tpu.memref_squeeze %dma_start3A_143 : memref<1x32x1024xf32, #tpu.memory_space<hbm>> -> memref<32x1024xf32, #tpu.memory_space<hbm>>
    tpu.enqueue_dma source(%arg5 : memref<32x1024xf32, #tpu.memory_space<vmem>>) target(%dma_start3A_144 : memref<32x1024xf32, #tpu.memory_space<hbm>>) target_semaphore(%arg9 : memref<!tpu.dma_semaphore, #tpu.memory_space<semaphore_mem>>)
    %add3A_145 = arith.constant 64 : i32
    %add3A_146 = arith.addi %mul3A_2, %add3A_145 : i32
    %dma_wait3A_147 = arith.constant 0 : i32
    %dma_wait3A_148 = tpu.memref_slice %arg2[%add3A_146, %dma_wait3A_147] : memref<8192x1024xf32, #tpu.memory_space<hbm>> -> memref<32x1024xf32, #tpu.memory_space<hbm>>
    %dma_wait3A_149 = arith.constant 0 : i32
    %dma_wait3A_150 = tpu.memref_slice %arg2[%add3A_146, %dma_wait3A_149] : memref<8192x1024xf32, #tpu.memory_space<hbm>> -> memref<32x1024xf32, #tpu.memory_space<hbm>>
    tpu.wait_dma2 semaphore(%arg7 : memref<!tpu.dma_semaphore, #tpu.memory_space<semaphore_mem>>) src(%dma_wait3A_150 : memref<32x1024xf32, #tpu.memory_space<hbm>>) dst(%arg6 : memref<32x1024xf32, #tpu.memory_space<vmem>>)
    %add3A_151 = arith.constant 32 : i32
    %add3A_152 = arith.addi %mul3A_2, %add3A_151 : i32
    %dma_wait3A_153 = arith.constant 0 : i32
    %dma_wait3A_154 = arith.constant 0 : i32
    %dma_wait3A_155 = tpu.memref_slice %arg3[%dma_wait3A_153, %add3A_152, %dma_wait3A_154] : memref<4x8192x1024xf32, #tpu.memory_space<hbm>> -> memref<1x32x1024xf32, #tpu.memory_space<hbm>>
    %dma_wait3A_156 = tpu.memref_squeeze %dma_wait3A_155 : memref<1x32x1024xf32, #tpu.memory_space<hbm>> -> memref<32x1024xf32, #tpu.memory_space<hbm>>
    %dma_wait3A_157 = arith.constant 0 : i32
    %dma_wait3A_158 = tpu.memref_slice %arg3[%dma_wait3A_153, %add3A_152, %dma_wait3A_157] : memref<4x8192x1024xf32, #tpu.memory_space<hbm>> -> memref<1x32x1024xf32, #tpu.memory_space<hbm>>
    %dma_wait3A_159 = tpu.memref_squeeze %dma_wait3A_158 : memref<1x32x1024xf32, #tpu.memory_space<hbm>> -> memref<32x1024xf32, #tpu.memory_space<hbm>>
    tpu.wait_dma2 semaphore(%arg9 : memref<!tpu.dma_semaphore, #tpu.memory_space<semaphore_mem>>) src(%arg5 : memref<32x1024xf32, #tpu.memory_space<vmem>>) dst(%dma_wait3A_159 : memref<32x1024xf32, #tpu.memory_space<hbm>>)
    %add3A_160 = arith.constant 32 : i32
    %add3A_161 = arith.addi %mul3A_2, %add3A_160 : i32
    %dma_wait3A_162 = arith.constant 1 : i32
    %dma_wait3A_163 = arith.constant 0 : i32
    %dma_wait3A_164 = tpu.memref_slice %arg3[%dma_wait3A_162, %add3A_161, %dma_wait3A_163] : memref<4x8192x1024xf32, #tpu.memory_space<hbm>> -> memref<1x32x1024xf32, #tpu.memory_space<hbm>>
    %dma_wait3A_165 = tpu.memref_squeeze %dma_wait3A_164 : memref<1x32x1024xf32, #tpu.memory_space<hbm>> -> memref<32x1024xf32, #tpu.memory_space<hbm>>
    %dma_wait3A_166 = arith.constant 0 : i32
    %dma_wait3A_167 = tpu.memref_slice %arg3[%dma_wait3A_162, %add3A_161, %dma_wait3A_166] : memref<4x8192x1024xf32, #tpu.memory_space<hbm>> -> memref<1x32x1024xf32, #tpu.memory_space<hbm>>
    %dma_wait3A_168 = tpu.memref_squeeze %dma_wait3A_167 : memref<1x32x1024xf32, #tpu.memory_space<hbm>> -> memref<32x1024xf32, #tpu.memory_space<hbm>>
    tpu.wait_dma2 semaphore(%arg9 : memref<!tpu.dma_semaphore, #tpu.memory_space<semaphore_mem>>) src(%arg5 : memref<32x1024xf32, #tpu.memory_space<vmem>>) dst(%dma_wait3A_168 : memref<32x1024xf32, #tpu.memory_space<hbm>>)
    %add3A_169 = arith.constant 32 : i32
    %add3A_170 = arith.addi %mul3A_2, %add3A_169 : i32
    %dma_wait3A_171 = arith.constant 2 : i32
    %dma_wait3A_172 = arith.constant 0 : i32
    %dma_wait3A_173 = tpu.memref_slice %arg3[%dma_wait3A_171, %add3A_170, %dma_wait3A_172] : memref<4x8192x1024xf32, #tpu.memory_space<hbm>> -> memref<1x32x1024xf32, #tpu.memory_space<hbm>>
    %dma_wait3A_174 = tpu.memref_squeeze %dma_wait3A_173 : memref<1x32x1024xf32, #tpu.memory_space<hbm>> -> memref<32x1024xf32, #tpu.memory_space<hbm>>
    %dma_wait3A_175 = arith.constant 0 : i32
    %dma_wait3A_176 = tpu.memref_slice %arg3[%dma_wait3A_171, %add3A_170, %dma_wait3A_175] : memref<4x8192x1024xf32, #tpu.memory_space<hbm>> -> memref<1x32x1024xf32, #tpu.memory_space<hbm>>
    %dma_wait3A_177 = tpu.memref_squeeze %dma_wait3A_176 : memref<1x32x1024xf32, #tpu.memory_space<hbm>> -> memref<32x1024xf32, #tpu.memory_space<hbm>>
    tpu.wait_dma2 semaphore(%arg9 : memref<!tpu.dma_semaphore, #tpu.memory_space<semaphore_mem>>) src(%arg5 : memref<32x1024xf32, #tpu.memory_space<vmem>>) dst(%dma_wait3A_177 : memref<32x1024xf32, #tpu.memory_space<hbm>>)
    %add3A_178 = arith.constant 32 : i32
    %add3A_179 = arith.addi %mul3A_2, %add3A_178 : i32
    %dma_wait3A_180 = arith.constant 3 : i32
    %dma_wait3A_181 = arith.constant 0 : i32
    %dma_wait3A_182 = tpu.memref_slice %arg3[%dma_wait3A_180, %add3A_179, %dma_wait3A_181] : memref<4x8192x1024xf32, #tpu.memory_space<hbm>> -> memref<1x32x1024xf32, #tpu.memory_space<hbm>>
    %dma_wait3A_183 = tpu.memref_squeeze %dma_wait3A_182 : memref<1x32x1024xf32, #tpu.memory_space<hbm>> -> memref<32x1024xf32, #tpu.memory_space<hbm>>
    %dma_wait3A_184 = arith.constant 0 : i32
    %dma_wait3A_185 = tpu.memref_slice %arg3[%dma_wait3A_180, %add3A_179, %dma_wait3A_184] : memref<4x8192x1024xf32, #tpu.memory_space<hbm>> -> memref<1x32x1024xf32, #tpu.memory_space<hbm>>
    %dma_wait3A_186 = tpu.memref_squeeze %dma_wait3A_185 : memref<1x32x1024xf32, #tpu.memory_space<hbm>> -> memref<32x1024xf32, #tpu.memory_space<hbm>>
    tpu.wait_dma2 semaphore(%arg9 : memref<!tpu.dma_semaphore, #tpu.memory_space<semaphore_mem>>) src(%arg5 : memref<32x1024xf32, #tpu.memory_space<vmem>>) dst(%dma_wait3A_186 : memref<32x1024xf32, #tpu.memory_space<hbm>>)
    %add3A_187 = arith.constant 128 : i32
    %add3A_188 = arith.addi %mul3A_2, %add3A_187 : i32
    %dma_start3A_189 = arith.constant 0 : i32
    %dma_start3A_190 = tpu.memref_slice %arg2[%add3A_188, %dma_start3A_189] : memref<8192x1024xf32, #tpu.memory_space<hbm>> -> memref<32x1024xf32, #tpu.memory_space<hbm>>
    %dma_start3A_191 = arith.constant 0 : i32
    %dma_start3A_192 = tpu.memref_slice %arg2[%add3A_188, %dma_start3A_191] : memref<8192x1024xf32, #tpu.memory_space<hbm>> -> memref<32x1024xf32, #tpu.memory_space<hbm>>
    tpu.enqueue_dma source(%dma_start3A_192 : memref<32x1024xf32, #tpu.memory_space<hbm>>) target(%arg5 : memref<32x1024xf32, #tpu.memory_space<vmem>>) target_semaphore(%arg7 : memref<!tpu.dma_semaphore, #tpu.memory_space<semaphore_mem>>)
    %add3A_193 = arith.constant 64 : i32
    %add3A_194 = arith.addi %mul3A_2, %add3A_193 : i32
    %dma_start3A_195 = arith.constant 0 : i32
    %dma_start3A_196 = arith.constant 0 : i32
    %dma_start3A_197 = tpu.memref_slice %arg3[%dma_start3A_195, %add3A_194, %dma_start3A_196] : memref<4x8192x1024xf32, #tpu.memory_space<hbm>> -> memref<1x32x1024xf32, #tpu.memory_space<hbm>>
    %dma_start3A_198 = tpu.memref_squeeze %dma_start3A_197 : memref<1x32x1024xf32, #tpu.memory_space<hbm>> -> memref<32x1024xf32, #tpu.memory_space<hbm>>
    %dma_start3A_199 = arith.constant 0 : i32
    %dma_start3A_200 = tpu.memref_slice %arg3[%dma_start3A_195, %add3A_194, %dma_start3A_199] : memref<4x8192x1024xf32, #tpu.memory_space<hbm>> -> memref<1x32x1024xf32, #tpu.memory_space<hbm>>
    %dma_start3A_201 = tpu.memref_squeeze %dma_start3A_200 : memref<1x32x1024xf32, #tpu.memory_space<hbm>> -> memref<32x1024xf32, #tpu.memory_space<hbm>>
    tpu.enqueue_dma source(%arg6 : memref<32x1024xf32, #tpu.memory_space<vmem>>) target(%dma_start3A_201 : memref<32x1024xf32, #tpu.memory_space<hbm>>) target_semaphore(%arg10 : memref<!tpu.dma_semaphore, #tpu.memory_space<semaphore_mem>>)
    %add3A_202 = arith.constant 64 : i32
    %add3A_203 = arith.addi %mul3A_2, %add3A_202 : i32
    %dma_start3A_204 = arith.constant 1 : i32
    %dma_start3A_205 = arith.constant 0 : i32
    %dma_start3A_206 = tpu.memref_slice %arg3[%dma_start3A_204, %add3A_203, %dma_start3A_205] : memref<4x8192x1024xf32, #tpu.memory_space<hbm>> -> memref<1x32x1024xf32, #tpu.memory_space<hbm>>
    %dma_start3A_207 = tpu.memref_squeeze %dma_start3A_206 : memref<1x32x1024xf32, #tpu.memory_space<hbm>> -> memref<32x1024xf32, #tpu.memory_space<hbm>>
    %dma_start3A_208 = arith.constant 0 : i32
    %dma_start3A_209 = tpu.memref_slice %arg3[%dma_start3A_204, %add3A_203, %dma_start3A_208] : memref<4x8192x1024xf32, #tpu.memory_space<hbm>> -> memref<1x32x1024xf32, #tpu.memory_space<hbm>>
    %dma_start3A_210 = tpu.memref_squeeze %dma_start3A_209 : memref<1x32x1024xf32, #tpu.memory_space<hbm>> -> memref<32x1024xf32, #tpu.memory_space<hbm>>
    tpu.enqueue_dma source(%arg6 : memref<32x1024xf32, #tpu.memory_space<vmem>>) target(%dma_start3A_210 : memref<32x1024xf32, #tpu.memory_space<hbm>>) target_semaphore(%arg10 : memref<!tpu.dma_semaphore, #tpu.memory_space<semaphore_mem>>)
    %add3A_211 = arith.constant 64 : i32
    %add3A_212 = arith.addi %mul3A_2, %add3A_211 : i32
    %dma_start3A_213 = arith.constant 2 : i32
    %dma_start3A_214 = arith.constant 0 : i32
    %dma_start3A_215 = tpu.memref_slice %arg3[%dma_start3A_213, %add3A_212, %dma_start3A_214] : memref<4x8192x1024xf32, #tpu.memory_space<hbm>> -> memref<1x32x1024xf32, #tpu.memory_space<hbm>>
    %dma_start3A_216 = tpu.memref_squeeze %dma_start3A_215 : memref<1x32x1024xf32, #tpu.memory_space<hbm>> -> memref<32x1024xf32, #tpu.memory_space<hbm>>
    %dma_start3A_217 = arith.constant 0 : i32
    %dma_start3A_218 = tpu.memref_slice %arg3[%dma_start3A_213, %add3A_212, %dma_start3A_217] : memref<4x8192x1024xf32, #tpu.memory_space<hbm>> -> memref<1x32x1024xf32, #tpu.memory_space<hbm>>
    %dma_start3A_219 = tpu.memref_squeeze %dma_start3A_218 : memref<1x32x1024xf32, #tpu.memory_space<hbm>> -> memref<32x1024xf32, #tpu.memory_space<hbm>>
    tpu.enqueue_dma source(%arg6 : memref<32x1024xf32, #tpu.memory_space<vmem>>) target(%dma_start3A_219 : memref<32x1024xf32, #tpu.memory_space<hbm>>) target_semaphore(%arg10 : memref<!tpu.dma_semaphore, #tpu.memory_space<semaphore_mem>>)
    %add3A_220 = arith.constant 64 : i32
    %add3A_221 = arith.addi %mul3A_2, %add3A_220 : i32
    %dma_start3A_222 = arith.constant 3 : i32
    %dma_start3A_223 = arith.constant 0 : i32
    %dma_start3A_224 = tpu.memref_slice %arg3[%dma_start3A_222, %add3A_221, %dma_start3A_223] : memref<4x8192x1024xf32, #tpu.memory_space<hbm>> -> memref<1x32x1024xf32, #tpu.memory_space<hbm>>
    %dma_start3A_225 = tpu.memref_squeeze %dma_start3A_224 : memref<1x32x1024xf32, #tpu.memory_space<hbm>> -> memref<32x1024xf32, #tpu.memory_space<hbm>>
    %dma_start3A_226 = arith.constant 0 : i32
    %dma_start3A_227 = tpu.memref_slice %arg3[%dma_start3A_222, %add3A_221, %dma_start3A_226] : memref<4x8192x1024xf32, #tpu.memory_space<hbm>> -> memref<1x32x1024xf32, #tpu.memory_space<hbm>>
    %dma_start3A_228 = tpu.memref_squeeze %dma_start3A_227 : memref<1x32x1024xf32, #tpu.memory_space<hbm>> -> memref<32x1024xf32, #tpu.memory_space<hbm>>
    tpu.enqueue_dma source(%arg6 : memref<32x1024xf32, #tpu.memory_space<vmem>>) target(%dma_start3A_228 : memref<32x1024xf32, #tpu.memory_space<hbm>>) target_semaphore(%arg10 : memref<!tpu.dma_semaphore, #tpu.memory_space<semaphore_mem>>)
    %add3A_229 = arith.constant 96 : i32
    %add3A_230 = arith.addi %mul3A_2, %add3A_229 : i32
    %dma_wait3A_231 = arith.constant 0 : i32
    %dma_wait3A_232 = tpu.memref_slice %arg2[%add3A_230, %dma_wait3A_231] : memref<8192x1024xf32, #tpu.memory_space<hbm>> -> memref<32x1024xf32, #tpu.memory_space<hbm>>
    %dma_wait3A_233 = arith.constant 0 : i32
    %dma_wait3A_234 = tpu.memref_slice %arg2[%add3A_230, %dma_wait3A_233] : memref<8192x1024xf32, #tpu.memory_space<hbm>> -> memref<32x1024xf32, #tpu.memory_space<hbm>>
    tpu.wait_dma2 semaphore(%arg7 : memref<!tpu.dma_semaphore, #tpu.memory_space<semaphore_mem>>) src(%dma_wait3A_234 : memref<32x1024xf32, #tpu.memory_space<hbm>>) dst(%arg4 : memref<32x1024xf32, #tpu.memory_space<vmem>>)
    %add3A_235 = arith.constant 64 : i32
    %add3A_236 = arith.addi %mul3A_2, %add3A_235 : i32
    %dma_wait3A_237 = arith.constant 0 : i32
    %dma_wait3A_238 = arith.constant 0 : i32
    %dma_wait3A_239 = tpu.memref_slice %arg3[%dma_wait3A_237, %add3A_236, %dma_wait3A_238] : memref<4x8192x1024xf32, #tpu.memory_space<hbm>> -> memref<1x32x1024xf32, #tpu.memory_space<hbm>>
    %dma_wait3A_240 = tpu.memref_squeeze %dma_wait3A_239 : memref<1x32x1024xf32, #tpu.memory_space<hbm>> -> memref<32x1024xf32, #tpu.memory_space<hbm>>
    %dma_wait3A_241 = arith.constant 0 : i32
    %dma_wait3A_242 = tpu.memref_slice %arg3[%dma_wait3A_237, %add3A_236, %dma_wait3A_241] : memref<4x8192x1024xf32, #tpu.memory_space<hbm>> -> memref<1x32x1024xf32, #tpu.memory_space<hbm>>
    %dma_wait3A_243 = tpu.memref_squeeze %dma_wait3A_242 : memref<1x32x1024xf32, #tpu.memory_space<hbm>> -> memref<32x1024xf32, #tpu.memory_space<hbm>>
    tpu.wait_dma2 semaphore(%arg10 : memref<!tpu.dma_semaphore, #tpu.memory_space<semaphore_mem>>) src(%arg6 : memref<32x1024xf32, #tpu.memory_space<vmem>>) dst(%dma_wait3A_243 : memref<32x1024xf32, #tpu.memory_space<hbm>>)
    %add3A_244 = arith.constant 64 : i32
    %add3A_245 = arith.addi %mul3A_2, %add3A_244 : i32
    %dma_wait3A_246 = arith.constant 1 : i32
    %dma_wait3A_247 = arith.constant 0 : i32
    %dma_wait3A_248 = tpu.memref_slice %arg3[%dma_wait3A_246, %add3A_245, %dma_wait3A_247] : memref<4x8192x1024xf32, #tpu.memory_space<hbm>> -> memref<1x32x1024xf32, #tpu.memory_space<hbm>>
    %dma_wait3A_249 = tpu.memref_squeeze %dma_wait3A_248 : memref<1x32x1024xf32, #tpu.memory_space<hbm>> -> memref<32x1024xf32, #tpu.memory_space<hbm>>
    %dma_wait3A_250 = arith.constant 0 : i32
    %dma_wait3A_251 = tpu.memref_slice %arg3[%dma_wait3A_246, %add3A_245, %dma_wait3A_250] : memref<4x8192x1024xf32, #tpu.memory_space<hbm>> -> memref<1x32x1024xf32, #tpu.memory_space<hbm>>
    %dma_wait3A_252 = tpu.memref_squeeze %dma_wait3A_251 : memref<1x32x1024xf32, #tpu.memory_space<hbm>> -> memref<32x1024xf32, #tpu.memory_space<hbm>>
    tpu.wait_dma2 semaphore(%arg10 : memref<!tpu.dma_semaphore, #tpu.memory_space<semaphore_mem>>) src(%arg6 : memref<32x1024xf32, #tpu.memory_space<vmem>>) dst(%dma_wait3A_252 : memref<32x1024xf32, #tpu.memory_space<hbm>>)
    %add3A_253 = arith.constant 64 : i32
    %add3A_254 = arith.addi %mul3A_2, %add3A_253 : i32
    %dma_wait3A_255 = arith.constant 2 : i32
    %dma_wait3A_256 = arith.constant 0 : i32
    %dma_wait3A_257 = tpu.memref_slice %arg3[%dma_wait3A_255, %add3A_254, %dma_wait3A_256] : memref<4x8192x1024xf32, #tpu.memory_space<hbm>> -> memref<1x32x1024xf32, #tpu.memory_space<hbm>>
    %dma_wait3A_258 = tpu.memref_squeeze %dma_wait3A_257 : memref<1x32x1024xf32, #tpu.memory_space<hbm>> -> memref<32x1024xf32, #tpu.memory_space<hbm>>
    %dma_wait3A_259 = arith.constant 0 : i32
    %dma_wait3A_260 = tpu.memref_slice %arg3[%dma_wait3A_255, %add3A_254, %dma_wait3A_259] : memref<4x8192x1024xf32, #tpu.memory_space<hbm>> -> memref<1x32x1024xf32, #tpu.memory_space<hbm>>
    %dma_wait3A_261 = tpu.memref_squeeze %dma_wait3A_260 : memref<1x32x1024xf32, #tpu.memory_space<hbm>> -> memref<32x1024xf32, #tpu.memory_space<hbm>>
    tpu.wait_dma2 semaphore(%arg10 : memref<!tpu.dma_semaphore, #tpu.memory_space<semaphore_mem>>) src(%arg6 : memref<32x1024xf32, #tpu.memory_space<vmem>>) dst(%dma_wait3A_261 : memref<32x1024xf32, #tpu.memory_space<hbm>>)
    %add3A_262 = arith.constant 64 : i32
    %add3A_263 = arith.addi %mul3A_2, %add3A_262 : i32
    %dma_wait3A_264 = arith.constant 3 : i32
    %dma_wait3A_265 = arith.constant 0 : i32
    %dma_wait3A_266 = tpu.memref_slice %arg3[%dma_wait3A_264, %add3A_263, %dma_wait3A_265] : memref<4x8192x1024xf32, #tpu.memory_space<hbm>> -> memref<1x32x1024xf32, #tpu.memory_space<hbm>>
    %dma_wait3A_267 = tpu.memref_squeeze %dma_wait3A_266 : memref<1x32x1024xf32, #tpu.memory_space<hbm>> -> memref<32x1024xf32, #tpu.memory_space<hbm>>
    %dma_wait3A_268 = arith.constant 0 : i32
    %dma_wait3A_269 = tpu.memref_slice %arg3[%dma_wait3A_264, %add3A_263, %dma_wait3A_268] : memref<4x8192x1024xf32, #tpu.memory_space<hbm>> -> memref<1x32x1024xf32, #tpu.memory_space<hbm>>
    %dma_wait3A_270 = tpu.memref_squeeze %dma_wait3A_269 : memref<1x32x1024xf32, #tpu.memory_space<hbm>> -> memref<32x1024xf32, #tpu.memory_space<hbm>>
    tpu.wait_dma2 semaphore(%arg10 : memref<!tpu.dma_semaphore, #tpu.memory_space<semaphore_mem>>) src(%arg6 : memref<32x1024xf32, #tpu.memory_space<vmem>>) dst(%dma_wait3A_270 : memref<32x1024xf32, #tpu.memory_space<hbm>>)
    %add3A_271 = arith.constant 160 : i32
    %add3A_272 = arith.addi %mul3A_2, %add3A_271 : i32
    %dma_start3A_273 = arith.constant 0 : i32
    %dma_start3A_274 = tpu.memref_slice %arg2[%add3A_272, %dma_start3A_273] : memref<8192x1024xf32, #tpu.memory_space<hbm>> -> memref<32x1024xf32, #tpu.memory_space<hbm>>
    %dma_start3A_275 = arith.constant 0 : i32
    %dma_start3A_276 = tpu.memref_slice %arg2[%add3A_272, %dma_start3A_275] : memref<8192x1024xf32, #tpu.memory_space<hbm>> -> memref<32x1024xf32, #tpu.memory_space<hbm>>
    tpu.enqueue_dma source(%dma_start3A_276 : memref<32x1024xf32, #tpu.memory_space<hbm>>) target(%arg6 : memref<32x1024xf32, #tpu.memory_space<vmem>>) target_semaphore(%arg7 : memref<!tpu.dma_semaphore, #tpu.memory_space<semaphore_mem>>)
    %add3A_277 = arith.constant 96 : i32
    %add3A_278 = arith.addi %mul3A_2, %add3A_277 : i32
    %dma_start3A_279 = arith.constant 0 : i32
    %dma_start3A_280 = arith.constant 0 : i32
    %dma_start3A_281 = tpu.memref_slice %arg3[%dma_start3A_279, %add3A_278, %dma_start3A_280] : memref<4x8192x1024xf32, #tpu.memory_space<hbm>> -> memref<1x32x1024xf32, #tpu.memory_space<hbm>>
    %dma_start3A_282 = tpu.memref_squeeze %dma_start3A_281 : memref<1x32x1024xf32, #tpu.memory_space<hbm>> -> memref<32x1024xf32, #tpu.memory_space<hbm>>
    %dma_start3A_283 = arith.constant 0 : i32
    %dma_start3A_284 = tpu.memref_slice %arg3[%dma_start3A_279, %add3A_278, %dma_start3A_283] : memref<4x8192x1024xf32, #tpu.memory_space<hbm>> -> memref<1x32x1024xf32, #tpu.memory_space<hbm>>
    %dma_start3A_285 = tpu.memref_squeeze %dma_start3A_284 : memref<1x32x1024xf32, #tpu.memory_space<hbm>> -> memref<32x1024xf32, #tpu.memory_space<hbm>>
    tpu.enqueue_dma source(%arg4 : memref<32x1024xf32, #tpu.memory_space<vmem>>) target(%dma_start3A_285 : memref<32x1024xf32, #tpu.memory_space<hbm>>) target_semaphore(%arg8 : memref<!tpu.dma_semaphore, #tpu.memory_space<semaphore_mem>>)
    %add3A_286 = arith.constant 96 : i32
    %add3A_287 = arith.addi %mul3A_2, %add3A_286 : i32
    %dma_start3A_288 = arith.constant 1 : i32
    %dma_start3A_289 = arith.constant 0 : i32
    %dma_start3A_290 = tpu.memref_slice %arg3[%dma_start3A_288, %add3A_287, %dma_start3A_289] : memref<4x8192x1024xf32, #tpu.memory_space<hbm>> -> memref<1x32x1024xf32, #tpu.memory_space<hbm>>
    %dma_start3A_291 = tpu.memref_squeeze %dma_start3A_290 : memref<1x32x1024xf32, #tpu.memory_space<hbm>> -> memref<32x1024xf32, #tpu.memory_space<hbm>>
    %dma_start3A_292 = arith.constant 0 : i32
    %dma_start3A_293 = tpu.memref_slice %arg3[%dma_start3A_288, %add3A_287, %dma_start3A_292] : memref<4x8192x1024xf32, #tpu.memory_space<hbm>> -> memref<1x32x1024xf32, #tpu.memory_space<hbm>>
    %dma_start3A_294 = tpu.memref_squeeze %dma_start3A_293 : memref<1x32x1024xf32, #tpu.memory_space<hbm>> -> memref<32x1024xf32, #tpu.memory_space<hbm>>
    tpu.enqueue_dma source(%arg4 : memref<32x1024xf32, #tpu.memory_space<vmem>>) target(%dma_start3A_294 : memref<32x1024xf32, #tpu.memory_space<hbm>>) target_semaphore(%arg8 : memref<!tpu.dma_semaphore, #tpu.memory_space<semaphore_mem>>)
    %add3A_295 = arith.constant 96 : i32
    %add3A_296 = arith.addi %mul3A_2, %add3A_295 : i32
    %dma_start3A_297 = arith.constant 2 : i32
    %dma_start3A_298 = arith.constant 0 : i32
    %dma_start3A_299 = tpu.memref_slice %arg3[%dma_start3A_297, %add3A_296, %dma_start3A_298] : memref<4x8192x1024xf32, #tpu.memory_space<hbm>> -> memref<1x32x1024xf32, #tpu.memory_space<hbm>>
    %dma_start3A_300 = tpu.memref_squeeze %dma_start3A_299 : memref<1x32x1024xf32, #tpu.memory_space<hbm>> -> memref<32x1024xf32, #tpu.memory_space<hbm>>
    %dma_start3A_301 = arith.constant 0 : i32
    %dma_start3A_302 = tpu.memref_slice %arg3[%dma_start3A_297, %add3A_296, %dma_start3A_301] : memref<4x8192x1024xf32, #tpu.memory_space<hbm>> -> memref<1x32x1024xf32, #tpu.memory_space<hbm>>
    %dma_start3A_303 = tpu.memref_squeeze %dma_start3A_302 : memref<1x32x1024xf32, #tpu.memory_space<hbm>> -> memref<32x1024xf32, #tpu.memory_space<hbm>>
    tpu.enqueue_dma source(%arg4 : memref<32x1024xf32, #tpu.memory_space<vmem>>) target(%dma_start3A_303 : memref<32x1024xf32, #tpu.memory_space<hbm>>) target_semaphore(%arg8 : memref<!tpu.dma_semaphore, #tpu.memory_space<semaphore_mem>>)
    %add3A_304 = arith.constant 96 : i32
    %add3A_305 = arith.addi %mul3A_2, %add3A_304 : i32
    %dma_start3A_306 = arith.constant 3 : i32
    %dma_start3A_307 = arith.constant 0 : i32
    %dma_start3A_308 = tpu.memref_slice %arg3[%dma_start3A_306, %add3A_305, %dma_start3A_307] : memref<4x8192x1024xf32, #tpu.memory_space<hbm>> -> memref<1x32x1024xf32, #tpu.memory_space<hbm>>
    %dma_start3A_309 = tpu.memref_squeeze %dma_start3A_308 : memref<1x32x1024xf32, #tpu.memory_space<hbm>> -> memref<32x1024xf32, #tpu.memory_space<hbm>>
    %dma_start3A_310 = arith.constant 0 : i32
    %dma_start3A_311 = tpu.memref_slice %arg3[%dma_start3A_306, %add3A_305, %dma_start3A_310] : memref<4x8192x1024xf32, #tpu.memory_space<hbm>> -> memref<1x32x1024xf32, #tpu.memory_space<hbm>>
    %dma_start3A_312 = tpu.memref_squeeze %dma_start3A_311 : memref<1x32x1024xf32, #tpu.memory_space<hbm>> -> memref<32x1024xf32, #tpu.memory_space<hbm>>
    tpu.enqueue_dma source(%arg4 : memref<32x1024xf32, #tpu.memory_space<vmem>>) target(%dma_start3A_312 : memref<32x1024xf32, #tpu.memory_space<hbm>>) target_semaphore(%arg8 : memref<!tpu.dma_semaphore, #tpu.memory_space<semaphore_mem>>)
    %add3A_313 = arith.constant 128 : i32
    %add3A_314 = arith.addi %mul3A_2, %add3A_313 : i32
    %dma_wait3A_315 = arith.constant 0 : i32
    %dma_wait3A_316 = tpu.memref_slice %arg2[%add3A_314, %dma_wait3A_315] : memref<8192x1024xf32, #tpu.memory_space<hbm>> -> memref<32x1024xf32, #tpu.memory_space<hbm>>
    %dma_wait3A_317 = arith.constant 0 : i32
    %dma_wait3A_318 = tpu.memref_slice %arg2[%add3A_314, %dma_wait3A_317] : memref<8192x1024xf32, #tpu.memory_space<hbm>> -> memref<32x1024xf32, #tpu.memory_space<hbm>>
    tpu.wait_dma2 semaphore(%arg7 : memref<!tpu.dma_semaphore, #tpu.memory_space<semaphore_mem>>) src(%dma_wait3A_318 : memref<32x1024xf32, #tpu.memory_space<hbm>>) dst(%arg5 : memref<32x1024xf32, #tpu.memory_space<vmem>>)
    %add3A_319 = arith.constant 96 : i32
    %add3A_320 = arith.addi %mul3A_2, %add3A_319 : i32
    %dma_wait3A_321 = arith.constant 0 : i32
    %dma_wait3A_322 = arith.constant 0 : i32
    %dma_wait3A_323 = tpu.memref_slice %arg3[%dma_wait3A_321, %add3A_320, %dma_wait3A_322] : memref<4x8192x1024xf32, #tpu.memory_space<hbm>> -> memref<1x32x1024xf32, #tpu.memory_space<hbm>>
    %dma_wait3A_324 = tpu.memref_squeeze %dma_wait3A_323 : memref<1x32x1024xf32, #tpu.memory_space<hbm>> -> memref<32x1024xf32, #tpu.memory_space<hbm>>
    %dma_wait3A_325 = arith.constant 0 : i32
    %dma_wait3A_326 = tpu.memref_slice %arg3[%dma_wait3A_321, %add3A_320, %dma_wait3A_325] : memref<4x8192x1024xf32, #tpu.memory_space<hbm>> -> memref<1x32x1024xf32, #tpu.memory_space<hbm>>
    %dma_wait3A_327 = tpu.memref_squeeze %dma_wait3A_326 : memref<1x32x1024xf32, #tpu.memory_space<hbm>> -> memref<32x1024xf32, #tpu.memory_space<hbm>>
    tpu.wait_dma2 semaphore(%arg8 : memref<!tpu.dma_semaphore, #tpu.memory_space<semaphore_mem>>) src(%arg4 : memref<32x1024xf32, #tpu.memory_space<vmem>>) dst(%dma_wait3A_327 : memref<32x1024xf32, #tpu.memory_space<hbm>>)
    %add3A_328 = arith.constant 96 : i32
    %add3A_329 = arith.addi %mul3A_2, %add3A_328 : i32
    %dma_wait3A_330 = arith.constant 1 : i32
    %dma_wait3A_331 = arith.constant 0 : i32
    %dma_wait3A_332 = tpu.memref_slice %arg3[%dma_wait3A_330, %add3A_329, %dma_wait3A_331] : memref<4x8192x1024xf32, #tpu.memory_space<hbm>> -> memref<1x32x1024xf32, #tpu.memory_space<hbm>>
    %dma_wait3A_333 = tpu.memref_squeeze %dma_wait3A_332 : memref<1x32x1024xf32, #tpu.memory_space<hbm>> -> memref<32x1024xf32, #tpu.memory_space<hbm>>
    %dma_wait3A_334 = arith.constant 0 : i32
    %dma_wait3A_335 = tpu.memref_slice %arg3[%dma_wait3A_330, %add3A_329, %dma_wait3A_334] : memref<4x8192x1024xf32, #tpu.memory_space<hbm>> -> memref<1x32x1024xf32, #tpu.memory_space<hbm>>
    %dma_wait3A_336 = tpu.memref_squeeze %dma_wait3A_335 : memref<1x32x1024xf32, #tpu.memory_space<hbm>> -> memref<32x1024xf32, #tpu.memory_space<hbm>>
    tpu.wait_dma2 semaphore(%arg8 : memref<!tpu.dma_semaphore, #tpu.memory_space<semaphore_mem>>) src(%arg4 : memref<32x1024xf32, #tpu.memory_space<vmem>>) dst(%dma_wait3A_336 : memref<32x1024xf32, #tpu.memory_space<hbm>>)
    %add3A_337 = arith.constant 96 : i32
    %add3A_338 = arith.addi %mul3A_2, %add3A_337 : i32
    %dma_wait3A_339 = arith.constant 2 : i32
    %dma_wait3A_340 = arith.constant 0 : i32
    %dma_wait3A_341 = tpu.memref_slice %arg3[%dma_wait3A_339, %add3A_338, %dma_wait3A_340] : memref<4x8192x1024xf32, #tpu.memory_space<hbm>> -> memref<1x32x1024xf32, #tpu.memory_space<hbm>>
    %dma_wait3A_342 = tpu.memref_squeeze %dma_wait3A_341 : memref<1x32x1024xf32, #tpu.memory_space<hbm>> -> memref<32x1024xf32, #tpu.memory_space<hbm>>
    %dma_wait3A_343 = arith.constant 0 : i32
    %dma_wait3A_344 = tpu.memref_slice %arg3[%dma_wait3A_339, %add3A_338, %dma_wait3A_343] : memref<4x8192x1024xf32, #tpu.memory_space<hbm>> -> memref<1x32x1024xf32, #tpu.memory_space<hbm>>
    %dma_wait3A_345 = tpu.memref_squeeze %dma_wait3A_344 : memref<1x32x1024xf32, #tpu.memory_space<hbm>> -> memref<32x1024xf32, #tpu.memory_space<hbm>>
    tpu.wait_dma2 semaphore(%arg8 : memref<!tpu.dma_semaphore, #tpu.memory_space<semaphore_mem>>) src(%arg4 : memref<32x1024xf32, #tpu.memory_space<vmem>>) dst(%dma_wait3A_345 : memref<32x1024xf32, #tpu.memory_space<hbm>>)
    %add3A_346 = arith.constant 96 : i32
    %add3A_347 = arith.addi %mul3A_2, %add3A_346 : i32
    %dma_wait3A_348 = arith.constant 3 : i32
    %dma_wait3A_349 = arith.constant 0 : i32
    %dma_wait3A_350 = tpu.memref_slice %arg3[%dma_wait3A_348, %add3A_347, %dma_wait3A_349] : memref<4x8192x1024xf32, #tpu.memory_space<hbm>> -> memref<1x32x1024xf32, #tpu.memory_space<hbm>>
    %dma_wait3A_351 = tpu.memref_squeeze %dma_wait3A_350 : memref<1x32x1024xf32, #tpu.memory_space<hbm>> -> memref<32x1024xf32, #tpu.memory_space<hbm>>
    %dma_wait3A_352 = arith.constant 0 : i32
    %dma_wait3A_353 = tpu.memref_slice %arg3[%dma_wait3A_348, %add3A_347, %dma_wait3A_352] : memref<4x8192x1024xf32, #tpu.memory_space<hbm>> -> memref<1x32x1024xf32, #tpu.memory_space<hbm>>
    %dma_wait3A_354 = tpu.memref_squeeze %dma_wait3A_353 : memref<1x32x1024xf32, #tpu.memory_space<hbm>> -> memref<32x1024xf32, #tpu.memory_space<hbm>>
    tpu.wait_dma2 semaphore(%arg8 : memref<!tpu.dma_semaphore, #tpu.memory_space<semaphore_mem>>) src(%arg4 : memref<32x1024xf32, #tpu.memory_space<vmem>>) dst(%dma_wait3A_354 : memref<32x1024xf32, #tpu.memory_space<hbm>>)
    %add3A_355 = arith.constant 192 : i32
    %add3A_356 = arith.addi %mul3A_2, %add3A_355 : i32
    %dma_start3A_357 = arith.constant 0 : i32
    %dma_start3A_358 = tpu.memref_slice %arg2[%add3A_356, %dma_start3A_357] : memref<8192x1024xf32, #tpu.memory_space<hbm>> -> memref<32x1024xf32, #tpu.memory_space<hbm>>
    %dma_start3A_359 = arith.constant 0 : i32
    %dma_start3A_360 = tpu.memref_slice %arg2[%add3A_356, %dma_start3A_359] : memref<8192x1024xf32, #tpu.memory_space<hbm>> -> memref<32x1024xf32, #tpu.memory_space<hbm>>
    tpu.enqueue_dma source(%dma_start3A_360 : memref<32x1024xf32, #tpu.memory_space<hbm>>) target(%arg4 : memref<32x1024xf32, #tpu.memory_space<vmem>>) target_semaphore(%arg7 : memref<!tpu.dma_semaphore, #tpu.memory_space<semaphore_mem>>)
    %add3A_361 = arith.constant 128 : i32
    %add3A_362 = arith.addi %mul3A_2, %add3A_361 : i32
    %dma_start3A_363 = arith.constant 0 : i32
    %dma_start3A_364 = arith.constant 0 : i32
    %dma_start3A_365 = tpu.memref_slice %arg3[%dma_start3A_363, %add3A_362, %dma_start3A_364] : memref<4x8192x1024xf32, #tpu.memory_space<hbm>> -> memref<1x32x1024xf32, #tpu.memory_space<hbm>>
    %dma_start3A_366 = tpu.memref_squeeze %dma_start3A_365 : memref<1x32x1024xf32, #tpu.memory_space<hbm>> -> memref<32x1024xf32, #tpu.memory_space<hbm>>
    %dma_start3A_367 = arith.constant 0 : i32
    %dma_start3A_368 = tpu.memref_slice %arg3[%dma_start3A_363, %add3A_362, %dma_start3A_367] : memref<4x8192x1024xf32, #tpu.memory_space<hbm>> -> memref<1x32x1024xf32, #tpu.memory_space<hbm>>
    %dma_start3A_369 = tpu.memref_squeeze %dma_start3A_368 : memref<1x32x1024xf32, #tpu.memory_space<hbm>> -> memref<32x1024xf32, #tpu.memory_space<hbm>>
    tpu.enqueue_dma source(%arg5 : memref<32x1024xf32, #tpu.memory_space<vmem>>) target(%dma_start3A_369 : memref<32x1024xf32, #tpu.memory_space<hbm>>) target_semaphore(%arg9 : memref<!tpu.dma_semaphore, #tpu.memory_space<semaphore_mem>>)
    %add3A_370 = arith.constant 128 : i32
    %add3A_371 = arith.addi %mul3A_2, %add3A_370 : i32
    %dma_start3A_372 = arith.constant 1 : i32
    %dma_start3A_373 = arith.constant 0 : i32
    %dma_start3A_374 = tpu.memref_slice %arg3[%dma_start3A_372, %add3A_371, %dma_start3A_373] : memref<4x8192x1024xf32, #tpu.memory_space<hbm>> -> memref<1x32x1024xf32, #tpu.memory_space<hbm>>
    %dma_start3A_375 = tpu.memref_squeeze %dma_start3A_374 : memref<1x32x1024xf32, #tpu.memory_space<hbm>> -> memref<32x1024xf32, #tpu.memory_space<hbm>>
    %dma_start3A_376 = arith.constant 0 : i32
    %dma_start3A_377 = tpu.memref_slice %arg3[%dma_start3A_372, %add3A_371, %dma_start3A_376] : memref<4x8192x1024xf32, #tpu.memory_space<hbm>> -> memref<1x32x1024xf32, #tpu.memory_space<hbm>>
    %dma_start3A_378 = tpu.memref_squeeze %dma_start3A_377 : memref<1x32x1024xf32, #tpu.memory_space<hbm>> -> memref<32x1024xf32, #tpu.memory_space<hbm>>
    tpu.enqueue_dma source(%arg5 : memref<32x1024xf32, #tpu.memory_space<vmem>>) target(%dma_start3A_378 : memref<32x1024xf32, #tpu.memory_space<hbm>>) target_semaphore(%arg9 : memref<!tpu.dma_semaphore, #tpu.memory_space<semaphore_mem>>)
    %add3A_379 = arith.constant 128 : i32
    %add3A_380 = arith.addi %mul3A_2, %add3A_379 : i32
    %dma_start3A_381 = arith.constant 2 : i32
    %dma_start3A_382 = arith.constant 0 : i32
    %dma_start3A_383 = tpu.memref_slice %arg3[%dma_start3A_381, %add3A_380, %dma_start3A_382] : memref<4x8192x1024xf32, #tpu.memory_space<hbm>> -> memref<1x32x1024xf32, #tpu.memory_space<hbm>>
    %dma_start3A_384 = tpu.memref_squeeze %dma_start3A_383 : memref<1x32x1024xf32, #tpu.memory_space<hbm>> -> memref<32x1024xf32, #tpu.memory_space<hbm>>
    %dma_start3A_385 = arith.constant 0 : i32
    %dma_start3A_386 = tpu.memref_slice %arg3[%dma_start3A_381, %add3A_380, %dma_start3A_385] : memref<4x8192x1024xf32, #tpu.memory_space<hbm>> -> memref<1x32x1024xf32, #tpu.memory_space<hbm>>
    %dma_start3A_387 = tpu.memref_squeeze %dma_start3A_386 : memref<1x32x1024xf32, #tpu.memory_space<hbm>> -> memref<32x1024xf32, #tpu.memory_space<hbm>>
    tpu.enqueue_dma source(%arg5 : memref<32x1024xf32, #tpu.memory_space<vmem>>) target(%dma_start3A_387 : memref<32x1024xf32, #tpu.memory_space<hbm>>) target_semaphore(%arg9 : memref<!tpu.dma_semaphore, #tpu.memory_space<semaphore_mem>>)
    %add3A_388 = arith.constant 128 : i32
    %add3A_389 = arith.addi %mul3A_2, %add3A_388 : i32
    %dma_start3A_390 = arith.constant 3 : i32
    %dma_start3A_391 = arith.constant 0 : i32
    %dma_start3A_392 = tpu.memref_slice %arg3[%dma_start3A_390, %add3A_389, %dma_start3A_391] : memref<4x8192x1024xf32, #tpu.memory_space<hbm>> -> memref<1x32x1024xf32, #tpu.memory_space<hbm>>
    %dma_start3A_393 = tpu.memref_squeeze %dma_start3A_392 : memref<1x32x1024xf32, #tpu.memory_space<hbm>> -> memref<32x1024xf32, #tpu.memory_space<hbm>>
    %dma_start3A_394 = arith.constant 0 : i32
    %dma_start3A_395 = tpu.memref_slice %arg3[%dma_start3A_390, %add3A_389, %dma_start3A_394] : memref<4x8192x1024xf32, #tpu.memory_space<hbm>> -> memref<1x32x1024xf32, #tpu.memory_space<hbm>>
    %dma_start3A_396 = tpu.memref_squeeze %dma_start3A_395 : memref<1x32x1024xf32, #tpu.memory_space<hbm>> -> memref<32x1024xf32, #tpu.memory_space<hbm>>
    tpu.enqueue_dma source(%arg5 : memref<32x1024xf32, #tpu.memory_space<vmem>>) target(%dma_start3A_396 : memref<32x1024xf32, #tpu.memory_space<hbm>>) target_semaphore(%arg9 : memref<!tpu.dma_semaphore, #tpu.memory_space<semaphore_mem>>)
    %add3A_397 = arith.constant 160 : i32
    %add3A_398 = arith.addi %mul3A_2, %add3A_397 : i32
    %dma_wait3A_399 = arith.constant 0 : i32
    %dma_wait3A_400 = tpu.memref_slice %arg2[%add3A_398, %dma_wait3A_399] : memref<8192x1024xf32, #tpu.memory_space<hbm>> -> memref<32x1024xf32, #tpu.memory_space<hbm>>
    %dma_wait3A_401 = arith.constant 0 : i32
    %dma_wait3A_402 = tpu.memref_slice %arg2[%add3A_398, %dma_wait3A_401] : memref<8192x1024xf32, #tpu.memory_space<hbm>> -> memref<32x1024xf32, #tpu.memory_space<hbm>>
    tpu.wait_dma2 semaphore(%arg7 : memref<!tpu.dma_semaphore, #tpu.memory_space<semaphore_mem>>) src(%dma_wait3A_402 : memref<32x1024xf32, #tpu.memory_space<hbm>>) dst(%arg6 : memref<32x1024xf32, #tpu.memory_space<vmem>>)
    %add3A_403 = arith.constant 128 : i32
    %add3A_404 = arith.addi %mul3A_2, %add3A_403 : i32
    %dma_wait3A_405 = arith.constant 0 : i32
    %dma_wait3A_406 = arith.constant 0 : i32
    %dma_wait3A_407 = tpu.memref_slice %arg3[%dma_wait3A_405, %add3A_404, %dma_wait3A_406] : memref<4x8192x1024xf32, #tpu.memory_space<hbm>> -> memref<1x32x1024xf32, #tpu.memory_space<hbm>>
    %dma_wait3A_408 = tpu.memref_squeeze %dma_wait3A_407 : memref<1x32x1024xf32, #tpu.memory_space<hbm>> -> memref<32x1024xf32, #tpu.memory_space<hbm>>
    %dma_wait3A_409 = arith.constant 0 : i32
    %dma_wait3A_410 = tpu.memref_slice %arg3[%dma_wait3A_405, %add3A_404, %dma_wait3A_409] : memref<4x8192x1024xf32, #tpu.memory_space<hbm>> -> memref<1x32x1024xf32, #tpu.memory_space<hbm>>
    %dma_wait3A_411 = tpu.memref_squeeze %dma_wait3A_410 : memref<1x32x1024xf32, #tpu.memory_space<hbm>> -> memref<32x1024xf32, #tpu.memory_space<hbm>>
    tpu.wait_dma2 semaphore(%arg9 : memref<!tpu.dma_semaphore, #tpu.memory_space<semaphore_mem>>) src(%arg5 : memref<32x1024xf32, #tpu.memory_space<vmem>>) dst(%dma_wait3A_411 : memref<32x1024xf32, #tpu.memory_space<hbm>>)
    %add3A_412 = arith.constant 128 : i32
    %add3A_413 = arith.addi %mul3A_2, %add3A_412 : i32
    %dma_wait3A_414 = arith.constant 1 : i32
    %dma_wait3A_415 = arith.constant 0 : i32
    %dma_wait3A_416 = tpu.memref_slice %arg3[%dma_wait3A_414, %add3A_413, %dma_wait3A_415] : memref<4x8192x1024xf32, #tpu.memory_space<hbm>> -> memref<1x32x1024xf32, #tpu.memory_space<hbm>>
    %dma_wait3A_417 = tpu.memref_squeeze %dma_wait3A_416 : memref<1x32x1024xf32, #tpu.memory_space<hbm>> -> memref<32x1024xf32, #tpu.memory_space<hbm>>
    %dma_wait3A_418 = arith.constant 0 : i32
    %dma_wait3A_419 = tpu.memref_slice %arg3[%dma_wait3A_414, %add3A_413, %dma_wait3A_418] : memref<4x8192x1024xf32, #tpu.memory_space<hbm>> -> memref<1x32x1024xf32, #tpu.memory_space<hbm>>
    %dma_wait3A_420 = tpu.memref_squeeze %dma_wait3A_419 : memref<1x32x1024xf32, #tpu.memory_space<hbm>> -> memref<32x1024xf32, #tpu.memory_space<hbm>>
    tpu.wait_dma2 semaphore(%arg9 : memref<!tpu.dma_semaphore, #tpu.memory_space<semaphore_mem>>) src(%arg5 : memref<32x1024xf32, #tpu.memory_space<vmem>>) dst(%dma_wait3A_420 : memref<32x1024xf32, #tpu.memory_space<hbm>>)
    %add3A_421 = arith.constant 128 : i32
    %add3A_422 = arith.addi %mul3A_2, %add3A_421 : i32
    %dma_wait3A_423 = arith.constant 2 : i32
    %dma_wait3A_424 = arith.constant 0 : i32
    %dma_wait3A_425 = tpu.memref_slice %arg3[%dma_wait3A_423, %add3A_422, %dma_wait3A_424] : memref<4x8192x1024xf32, #tpu.memory_space<hbm>> -> memref<1x32x1024xf32, #tpu.memory_space<hbm>>
    %dma_wait3A_426 = tpu.memref_squeeze %dma_wait3A_425 : memref<1x32x1024xf32, #tpu.memory_space<hbm>> -> memref<32x1024xf32, #tpu.memory_space<hbm>>
    %dma_wait3A_427 = arith.constant 0 : i32
    %dma_wait3A_428 = tpu.memref_slice %arg3[%dma_wait3A_423, %add3A_422, %dma_wait3A_427] : memref<4x8192x1024xf32, #tpu.memory_space<hbm>> -> memref<1x32x1024xf32, #tpu.memory_space<hbm>>
    %dma_wait3A_429 = tpu.memref_squeeze %dma_wait3A_428 : memref<1x32x1024xf32, #tpu.memory_space<hbm>> -> memref<32x1024xf32, #tpu.memory_space<hbm>>
    tpu.wait_dma2 semaphore(%arg9 : memref<!tpu.dma_semaphore, #tpu.memory_space<semaphore_mem>>) src(%arg5 : memref<32x1024xf32, #tpu.memory_space<vmem>>) dst(%dma_wait3A_429 : memref<32x1024xf32, #tpu.memory_space<hbm>>)
    %add3A_430 = arith.constant 128 : i32
    %add3A_431 = arith.addi %mul3A_2, %add3A_430 : i32
    %dma_wait3A_432 = arith.constant 3 : i32
    %dma_wait3A_433 = arith.constant 0 : i32
    %dma_wait3A_434 = tpu.memref_slice %arg3[%dma_wait3A_432, %add3A_431, %dma_wait3A_433] : memref<4x8192x1024xf32, #tpu.memory_space<hbm>> -> memref<1x32x1024xf32, #tpu.memory_space<hbm>>
    %dma_wait3A_435 = tpu.memref_squeeze %dma_wait3A_434 : memref<1x32x1024xf32, #tpu.memory_space<hbm>> -> memref<32x1024xf32, #tpu.memory_space<hbm>>
    %dma_wait3A_436 = arith.constant 0 : i32
    %dma_wait3A_437 = tpu.memref_slice %arg3[%dma_wait3A_432, %add3A_431, %dma_wait3A_436] : memref<4x8192x1024xf32, #tpu.memory_space<hbm>> -> memref<1x32x1024xf32, #tpu.memory_space<hbm>>
    %dma_wait3A_438 = tpu.memref_squeeze %dma_wait3A_437 : memref<1x32x1024xf32, #tpu.memory_space<hbm>> -> memref<32x1024xf32, #tpu.memory_space<hbm>>
    tpu.wait_dma2 semaphore(%arg9 : memref<!tpu.dma_semaphore, #tpu.memory_space<semaphore_mem>>) src(%arg5 : memref<32x1024xf32, #tpu.memory_space<vmem>>) dst(%dma_wait3A_438 : memref<32x1024xf32, #tpu.memory_space<hbm>>)
    %add3A_439 = arith.constant 224 : i32
    %add3A_440 = arith.addi %mul3A_2, %add3A_439 : i32
    %dma_start3A_441 = arith.constant 0 : i32
    %dma_start3A_442 = tpu.memref_slice %arg2[%add3A_440, %dma_start3A_441] : memref<8192x1024xf32, #tpu.memory_space<hbm>> -> memref<32x1024xf32, #tpu.memory_space<hbm>>
    %dma_start3A_443 = arith.constant 0 : i32
    %dma_start3A_444 = tpu.memref_slice %arg2[%add3A_440, %dma_start3A_443] : memref<8192x1024xf32, #tpu.memory_space<hbm>> -> memref<32x1024xf32, #tpu.memory_space<hbm>>
    tpu.enqueue_dma source(%dma_start3A_444 : memref<32x1024xf32, #tpu.memory_space<hbm>>) target(%arg5 : memref<32x1024xf32, #tpu.memory_space<vmem>>) target_semaphore(%arg7 : memref<!tpu.dma_semaphore, #tpu.memory_space<semaphore_mem>>)
    %add3A_445 = arith.constant 160 : i32
    %add3A_446 = arith.addi %mul3A_2, %add3A_445 : i32
    %dma_start3A_447 = arith.constant 0 : i32
    %dma_start3A_448 = arith.constant 0 : i32
    %dma_start3A_449 = tpu.memref_slice %arg3[%dma_start3A_447, %add3A_446, %dma_start3A_448] : memref<4x8192x1024xf32, #tpu.memory_space<hbm>> -> memref<1x32x1024xf32, #tpu.memory_space<hbm>>
    %dma_start3A_450 = tpu.memref_squeeze %dma_start3A_449 : memref<1x32x1024xf32, #tpu.memory_space<hbm>> -> memref<32x1024xf32, #tpu.memory_space<hbm>>
    %dma_start3A_451 = arith.constant 0 : i32
    %dma_start3A_452 = tpu.memref_slice %arg3[%dma_start3A_447, %add3A_446, %dma_start3A_451] : memref<4x8192x1024xf32, #tpu.memory_space<hbm>> -> memref<1x32x1024xf32, #tpu.memory_space<hbm>>
    %dma_start3A_453 = tpu.memref_squeeze %dma_start3A_452 : memref<1x32x1024xf32, #tpu.memory_space<hbm>> -> memref<32x1024xf32, #tpu.memory_space<hbm>>
    tpu.enqueue_dma source(%arg6 : memref<32x1024xf32, #tpu.memory_space<vmem>>) target(%dma_start3A_453 : memref<32x1024xf32, #tpu.memory_space<hbm>>) target_semaphore(%arg10 : memref<!tpu.dma_semaphore, #tpu.memory_space<semaphore_mem>>)
    %add3A_454 = arith.constant 160 : i32
    %add3A_455 = arith.addi %mul3A_2, %add3A_454 : i32
    %dma_start3A_456 = arith.constant 1 : i32
    %dma_start3A_457 = arith.constant 0 : i32
    %dma_start3A_458 = tpu.memref_slice %arg3[%dma_start3A_456, %add3A_455, %dma_start3A_457] : memref<4x8192x1024xf32, #tpu.memory_space<hbm>> -> memref<1x32x1024xf32, #tpu.memory_space<hbm>>
    %dma_start3A_459 = tpu.memref_squeeze %dma_start3A_458 : memref<1x32x1024xf32, #tpu.memory_space<hbm>> -> memref<32x1024xf32, #tpu.memory_space<hbm>>
    %dma_start3A_460 = arith.constant 0 : i32
    %dma_start3A_461 = tpu.memref_slice %arg3[%dma_start3A_456, %add3A_455, %dma_start3A_460] : memref<4x8192x1024xf32, #tpu.memory_space<hbm>> -> memref<1x32x1024xf32, #tpu.memory_space<hbm>>
    %dma_start3A_462 = tpu.memref_squeeze %dma_start3A_461 : memref<1x32x1024xf32, #tpu.memory_space<hbm>> -> memref<32x1024xf32, #tpu.memory_space<hbm>>
    tpu.enqueue_dma source(%arg6 : memref<32x1024xf32, #tpu.memory_space<vmem>>) target(%dma_start3A_462 : memref<32x1024xf32, #tpu.memory_space<hbm>>) target_semaphore(%arg10 : memref<!tpu.dma_semaphore, #tpu.memory_space<semaphore_mem>>)
    %add3A_463 = arith.constant 160 : i32
    %add3A_464 = arith.addi %mul3A_2, %add3A_463 : i32
    %dma_start3A_465 = arith.constant 2 : i32
    %dma_start3A_466 = arith.constant 0 : i32
    %dma_start3A_467 = tpu.memref_slice %arg3[%dma_start3A_465, %add3A_464, %dma_start3A_466] : memref<4x8192x1024xf32, #tpu.memory_space<hbm>> -> memref<1x32x1024xf32, #tpu.memory_space<hbm>>
    %dma_start3A_468 = tpu.memref_squeeze %dma_start3A_467 : memref<1x32x1024xf32, #tpu.memory_space<hbm>> -> memref<32x1024xf32, #tpu.memory_space<hbm>>
    %dma_start3A_469 = arith.constant 0 : i32
    %dma_start3A_470 = tpu.memref_slice %arg3[%dma_start3A_465, %add3A_464, %dma_start3A_469] : memref<4x8192x1024xf32, #tpu.memory_space<hbm>> -> memref<1x32x1024xf32, #tpu.memory_space<hbm>>
    %dma_start3A_471 = tpu.memref_squeeze %dma_start3A_470 : memref<1x32x1024xf32, #tpu.memory_space<hbm>> -> memref<32x1024xf32, #tpu.memory_space<hbm>>
    tpu.enqueue_dma source(%arg6 : memref<32x1024xf32, #tpu.memory_space<vmem>>) target(%dma_start3A_471 : memref<32x1024xf32, #tpu.memory_space<hbm>>) target_semaphore(%arg10 : memref<!tpu.dma_semaphore, #tpu.memory_space<semaphore_mem>>)
    %add3A_472 = arith.constant 160 : i32
    %add3A_473 = arith.addi %mul3A_2, %add3A_472 : i32
    %dma_start3A_474 = arith.constant 3 : i32
    %dma_start3A_475 = arith.constant 0 : i32
    %dma_start3A_476 = tpu.memref_slice %arg3[%dma_start3A_474, %add3A_473, %dma_start3A_475] : memref<4x8192x1024xf32, #tpu.memory_space<hbm>> -> memref<1x32x1024xf32, #tpu.memory_space<hbm>>
    %dma_start3A_477 = tpu.memref_squeeze %dma_start3A_476 : memref<1x32x1024xf32, #tpu.memory_space<hbm>> -> memref<32x1024xf32, #tpu.memory_space<hbm>>
    %dma_start3A_478 = arith.constant 0 : i32
    %dma_start3A_479 = tpu.memref_slice %arg3[%dma_start3A_474, %add3A_473, %dma_start3A_478] : memref<4x8192x1024xf32, #tpu.memory_space<hbm>> -> memref<1x32x1024xf32, #tpu.memory_space<hbm>>
    %dma_start3A_480 = tpu.memref_squeeze %dma_start3A_479 : memref<1x32x1024xf32, #tpu.memory_space<hbm>> -> memref<32x1024xf32, #tpu.memory_space<hbm>>
    tpu.enqueue_dma source(%arg6 : memref<32x1024xf32, #tpu.memory_space<vmem>>) target(%dma_start3A_480 : memref<32x1024xf32, #tpu.memory_space<hbm>>) target_semaphore(%arg10 : memref<!tpu.dma_semaphore, #tpu.memory_space<semaphore_mem>>)
    %add3A_481 = arith.constant 192 : i32
    %add3A_482 = arith.addi %mul3A_2, %add3A_481 : i32
    %dma_wait3A_483 = arith.constant 0 : i32
    %dma_wait3A_484 = tpu.memref_slice %arg2[%add3A_482, %dma_wait3A_483] : memref<8192x1024xf32, #tpu.memory_space<hbm>> -> memref<32x1024xf32, #tpu.memory_space<hbm>>
    %dma_wait3A_485 = arith.constant 0 : i32
    %dma_wait3A_486 = tpu.memref_slice %arg2[%add3A_482, %dma_wait3A_485] : memref<8192x1024xf32, #tpu.memory_space<hbm>> -> memref<32x1024xf32, #tpu.memory_space<hbm>>
    tpu.wait_dma2 semaphore(%arg7 : memref<!tpu.dma_semaphore, #tpu.memory_space<semaphore_mem>>) src(%dma_wait3A_486 : memref<32x1024xf32, #tpu.memory_space<hbm>>) dst(%arg4 : memref<32x1024xf32, #tpu.memory_space<vmem>>)
    %add3A_487 = arith.constant 192 : i32
    %add3A_488 = arith.addi %mul3A_2, %add3A_487 : i32
    %dma_start3A_489 = arith.constant 0 : i32
    %dma_start3A_490 = arith.constant 0 : i32
    %dma_start3A_491 = tpu.memref_slice %arg3[%dma_start3A_489, %add3A_488, %dma_start3A_490] : memref<4x8192x1024xf32, #tpu.memory_space<hbm>> -> memref<1x32x1024xf32, #tpu.memory_space<hbm>>
    %dma_start3A_492 = tpu.memref_squeeze %dma_start3A_491 : memref<1x32x1024xf32, #tpu.memory_space<hbm>> -> memref<32x1024xf32, #tpu.memory_space<hbm>>
    %dma_start3A_493 = arith.constant 0 : i32
    %dma_start3A_494 = tpu.memref_slice %arg3[%dma_start3A_489, %add3A_488, %dma_start3A_493] : memref<4x8192x1024xf32, #tpu.memory_space<hbm>> -> memref<1x32x1024xf32, #tpu.memory_space<hbm>>
    %dma_start3A_495 = tpu.memref_squeeze %dma_start3A_494 : memref<1x32x1024xf32, #tpu.memory_space<hbm>> -> memref<32x1024xf32, #tpu.memory_space<hbm>>
    tpu.enqueue_dma source(%arg4 : memref<32x1024xf32, #tpu.memory_space<vmem>>) target(%dma_start3A_495 : memref<32x1024xf32, #tpu.memory_space<hbm>>) target_semaphore(%arg8 : memref<!tpu.dma_semaphore, #tpu.memory_space<semaphore_mem>>)
    %add3A_496 = arith.constant 192 : i32
    %add3A_497 = arith.addi %mul3A_2, %add3A_496 : i32
    %dma_start3A_498 = arith.constant 1 : i32
    %dma_start3A_499 = arith.constant 0 : i32
    %dma_start3A_500 = tpu.memref_slice %arg3[%dma_start3A_498, %add3A_497, %dma_start3A_499] : memref<4x8192x1024xf32, #tpu.memory_space<hbm>> -> memref<1x32x1024xf32, #tpu.memory_space<hbm>>
    %dma_start3A_501 = tpu.memref_squeeze %dma_start3A_500 : memref<1x32x1024xf32, #tpu.memory_space<hbm>> -> memref<32x1024xf32, #tpu.memory_space<hbm>>
    %dma_start3A_502 = arith.constant 0 : i32
    %dma_start3A_503 = tpu.memref_slice %arg3[%dma_start3A_498, %add3A_497, %dma_start3A_502] : memref<4x8192x1024xf32, #tpu.memory_space<hbm>> -> memref<1x32x1024xf32, #tpu.memory_space<hbm>>
    %dma_start3A_504 = tpu.memref_squeeze %dma_start3A_503 : memref<1x32x1024xf32, #tpu.memory_space<hbm>> -> memref<32x1024xf32, #tpu.memory_space<hbm>>
    tpu.enqueue_dma source(%arg4 : memref<32x1024xf32, #tpu.memory_space<vmem>>) target(%dma_start3A_504 : memref<32x1024xf32, #tpu.memory_space<hbm>>) target_semaphore(%arg8 : memref<!tpu.dma_semaphore, #tpu.memory_space<semaphore_mem>>)
    %add3A_505 = arith.constant 192 : i32
    %add3A_506 = arith.addi %mul3A_2, %add3A_505 : i32
    %dma_start3A_507 = arith.constant 2 : i32
    %dma_start3A_508 = arith.constant 0 : i32
    %dma_start3A_509 = tpu.memref_slice %arg3[%dma_start3A_507, %add3A_506, %dma_start3A_508] : memref<4x8192x1024xf32, #tpu.memory_space<hbm>> -> memref<1x32x1024xf32, #tpu.memory_space<hbm>>
    %dma_start3A_510 = tpu.memref_squeeze %dma_start3A_509 : memref<1x32x1024xf32, #tpu.memory_space<hbm>> -> memref<32x1024xf32, #tpu.memory_space<hbm>>
    %dma_start3A_511 = arith.constant 0 : i32
    %dma_start3A_512 = tpu.memref_slice %arg3[%dma_start3A_507, %add3A_506, %dma_start3A_511] : memref<4x8192x1024xf32, #tpu.memory_space<hbm>> -> memref<1x32x1024xf32, #tpu.memory_space<hbm>>
    %dma_start3A_513 = tpu.memref_squeeze %dma_start3A_512 : memref<1x32x1024xf32, #tpu.memory_space<hbm>> -> memref<32x1024xf32, #tpu.memory_space<hbm>>
    tpu.enqueue_dma source(%arg4 : memref<32x1024xf32, #tpu.memory_space<vmem>>) target(%dma_start3A_513 : memref<32x1024xf32, #tpu.memory_space<hbm>>) target_semaphore(%arg8 : memref<!tpu.dma_semaphore, #tpu.memory_space<semaphore_mem>>)
    %add3A_514 = arith.constant 192 : i32
    %add3A_515 = arith.addi %mul3A_2, %add3A_514 : i32
    %dma_start3A_516 = arith.constant 3 : i32
    %dma_start3A_517 = arith.constant 0 : i32
    %dma_start3A_518 = tpu.memref_slice %arg3[%dma_start3A_516, %add3A_515, %dma_start3A_517] : memref<4x8192x1024xf32, #tpu.memory_space<hbm>> -> memref<1x32x1024xf32, #tpu.memory_space<hbm>>
    %dma_start3A_519 = tpu.memref_squeeze %dma_start3A_518 : memref<1x32x1024xf32, #tpu.memory_space<hbm>> -> memref<32x1024xf32, #tpu.memory_space<hbm>>
    %dma_start3A_520 = arith.constant 0 : i32
    %dma_start3A_521 = tpu.memref_slice %arg3[%dma_start3A_516, %add3A_515, %dma_start3A_520] : memref<4x8192x1024xf32, #tpu.memory_space<hbm>> -> memref<1x32x1024xf32, #tpu.memory_space<hbm>>
    %dma_start3A_522 = tpu.memref_squeeze %dma_start3A_521 : memref<1x32x1024xf32, #tpu.memory_space<hbm>> -> memref<32x1024xf32, #tpu.memory_space<hbm>>
    tpu.enqueue_dma source(%arg4 : memref<32x1024xf32, #tpu.memory_space<vmem>>) target(%dma_start3A_522 : memref<32x1024xf32, #tpu.memory_space<hbm>>) target_semaphore(%arg8 : memref<!tpu.dma_semaphore, #tpu.memory_space<semaphore_mem>>)
    %add3A_523 = arith.constant 224 : i32
    %add3A_524 = arith.addi %mul3A_2, %add3A_523 : i32
    %dma_wait3A_525 = arith.constant 0 : i32
    %dma_wait3A_526 = tpu.memref_slice %arg2[%add3A_524, %dma_wait3A_525] : memref<8192x1024xf32, #tpu.memory_space<hbm>> -> memref<32x1024xf32, #tpu.memory_space<hbm>>
    %dma_wait3A_527 = arith.constant 0 : i32
    %dma_wait3A_528 = tpu.memref_slice %arg2[%add3A_524, %dma_wait3A_527] : memref<8192x1024xf32, #tpu.memory_space<hbm>> -> memref<32x1024xf32, #tpu.memory_space<hbm>>
    tpu.wait_dma2 semaphore(%arg7 : memref<!tpu.dma_semaphore, #tpu.memory_space<semaphore_mem>>) src(%dma_wait3A_528 : memref<32x1024xf32, #tpu.memory_space<hbm>>) dst(%arg5 : memref<32x1024xf32, #tpu.memory_space<vmem>>)
    %add3A_529 = arith.constant 224 : i32
    %add3A_530 = arith.addi %mul3A_2, %add3A_529 : i32
    %dma_start3A_531 = arith.constant 0 : i32
    %dma_start3A_532 = arith.constant 0 : i32
    %dma_start3A_533 = tpu.memref_slice %arg3[%dma_start3A_531, %add3A_530, %dma_start3A_532] : memref<4x8192x1024xf32, #tpu.memory_space<hbm>> -> memref<1x32x1024xf32, #tpu.memory_space<hbm>>
    %dma_start3A_534 = tpu.memref_squeeze %dma_start3A_533 : memref<1x32x1024xf32, #tpu.memory_space<hbm>> -> memref<32x1024xf32, #tpu.memory_space<hbm>>
    %dma_start3A_535 = arith.constant 0 : i32
    %dma_start3A_536 = tpu.memref_slice %arg3[%dma_start3A_531, %add3A_530, %dma_start3A_535] : memref<4x8192x1024xf32, #tpu.memory_space<hbm>> -> memref<1x32x1024xf32, #tpu.memory_space<hbm>>
    %dma_start3A_537 = tpu.memref_squeeze %dma_start3A_536 : memref<1x32x1024xf32, #tpu.memory_space<hbm>> -> memref<32x1024xf32, #tpu.memory_space<hbm>>
    tpu.enqueue_dma source(%arg5 : memref<32x1024xf32, #tpu.memory_space<vmem>>) target(%dma_start3A_537 : memref<32x1024xf32, #tpu.memory_space<hbm>>) target_semaphore(%arg9 : memref<!tpu.dma_semaphore, #tpu.memory_space<semaphore_mem>>)
    %add3A_538 = arith.constant 224 : i32
    %add3A_539 = arith.addi %mul3A_2, %add3A_538 : i32
    %dma_start3A_540 = arith.constant 1 : i32
    %dma_start3A_541 = arith.constant 0 : i32
    %dma_start3A_542 = tpu.memref_slice %arg3[%dma_start3A_540, %add3A_539, %dma_start3A_541] : memref<4x8192x1024xf32, #tpu.memory_space<hbm>> -> memref<1x32x1024xf32, #tpu.memory_space<hbm>>
    %dma_start3A_543 = tpu.memref_squeeze %dma_start3A_542 : memref<1x32x1024xf32, #tpu.memory_space<hbm>> -> memref<32x1024xf32, #tpu.memory_space<hbm>>
    %dma_start3A_544 = arith.constant 0 : i32
    %dma_start3A_545 = tpu.memref_slice %arg3[%dma_start3A_540, %add3A_539, %dma_start3A_544] : memref<4x8192x1024xf32, #tpu.memory_space<hbm>> -> memref<1x32x1024xf32, #tpu.memory_space<hbm>>
    %dma_start3A_546 = tpu.memref_squeeze %dma_start3A_545 : memref<1x32x1024xf32, #tpu.memory_space<hbm>> -> memref<32x1024xf32, #tpu.memory_space<hbm>>
    tpu.enqueue_dma source(%arg5 : memref<32x1024xf32, #tpu.memory_space<vmem>>) target(%dma_start3A_546 : memref<32x1024xf32, #tpu.memory_space<hbm>>) target_semaphore(%arg9 : memref<!tpu.dma_semaphore, #tpu.memory_space<semaphore_mem>>)
    %add3A_547 = arith.constant 224 : i32
    %add3A_548 = arith.addi %mul3A_2, %add3A_547 : i32
    %dma_start3A_549 = arith.constant 2 : i32
    %dma_start3A_550 = arith.constant 0 : i32
    %dma_start3A_551 = tpu.memref_slice %arg3[%dma_start3A_549, %add3A_548, %dma_start3A_550] : memref<4x8192x1024xf32, #tpu.memory_space<hbm>> -> memref<1x32x1024xf32, #tpu.memory_space<hbm>>
    %dma_start3A_552 = tpu.memref_squeeze %dma_start3A_551 : memref<1x32x1024xf32, #tpu.memory_space<hbm>> -> memref<32x1024xf32, #tpu.memory_space<hbm>>
    %dma_start3A_553 = arith.constant 0 : i32
    %dma_start3A_554 = tpu.memref_slice %arg3[%dma_start3A_549, %add3A_548, %dma_start3A_553] : memref<4x8192x1024xf32, #tpu.memory_space<hbm>> -> memref<1x32x1024xf32, #tpu.memory_space<hbm>>
    %dma_start3A_555 = tpu.memref_squeeze %dma_start3A_554 : memref<1x32x1024xf32, #tpu.memory_space<hbm>> -> memref<32x1024xf32, #tpu.memory_space<hbm>>
    tpu.enqueue_dma source(%arg5 : memref<32x1024xf32, #tpu.memory_space<vmem>>) target(%dma_start3A_555 : memref<32x1024xf32, #tpu.memory_space<hbm>>) target_semaphore(%arg9 : memref<!tpu.dma_semaphore, #tpu.memory_space<semaphore_mem>>)
    %add3A_556 = arith.constant 224 : i32
    %add3A_557 = arith.addi %mul3A_2, %add3A_556 : i32
    %dma_start3A_558 = arith.constant 3 : i32
    %dma_start3A_559 = arith.constant 0 : i32
    %dma_start3A_560 = tpu.memref_slice %arg3[%dma_start3A_558, %add3A_557, %dma_start3A_559] : memref<4x8192x1024xf32, #tpu.memory_space<hbm>> -> memref<1x32x1024xf32, #tpu.memory_space<hbm>>
    %dma_start3A_561 = tpu.memref_squeeze %dma_start3A_560 : memref<1x32x1024xf32, #tpu.memory_space<hbm>> -> memref<32x1024xf32, #tpu.memory_space<hbm>>
    %dma_start3A_562 = arith.constant 0 : i32
    %dma_start3A_563 = tpu.memref_slice %arg3[%dma_start3A_558, %add3A_557, %dma_start3A_562] : memref<4x8192x1024xf32, #tpu.memory_space<hbm>> -> memref<1x32x1024xf32, #tpu.memory_space<hbm>>
    %dma_start3A_564 = tpu.memref_squeeze %dma_start3A_563 : memref<1x32x1024xf32, #tpu.memory_space<hbm>> -> memref<32x1024xf32, #tpu.memory_space<hbm>>
    tpu.enqueue_dma source(%arg5 : memref<32x1024xf32, #tpu.memory_space<vmem>>) target(%dma_start3A_564 : memref<32x1024xf32, #tpu.memory_space<hbm>>) target_semaphore(%arg9 : memref<!tpu.dma_semaphore, #tpu.memory_space<semaphore_mem>>)
    %add3A_565 = arith.constant 160 : i32
    %add3A_566 = arith.addi %mul3A_2, %add3A_565 : i32
    %dma_wait3A_567 = arith.constant 0 : i32
    %dma_wait3A_568 = arith.constant 0 : i32
    %dma_wait3A_569 = tpu.memref_slice %arg3[%dma_wait3A_567, %add3A_566, %dma_wait3A_568] : memref<4x8192x1024xf32, #tpu.memory_space<hbm>> -> memref<1x32x1024xf32, #tpu.memory_space<hbm>>
    %dma_wait3A_570 = tpu.memref_squeeze %dma_wait3A_569 : memref<1x32x1024xf32, #tpu.memory_space<hbm>> -> memref<32x1024xf32, #tpu.memory_space<hbm>>
    %dma_wait3A_571 = arith.constant 0 : i32
    %dma_wait3A_572 = tpu.memref_slice %arg3[%dma_wait3A_567, %add3A_566, %dma_wait3A_571] : memref<4x8192x1024xf32, #tpu.memory_space<hbm>> -> memref<1x32x1024xf32, #tpu.memory_space<hbm>>
    %dma_wait3A_573 = tpu.memref_squeeze %dma_wait3A_572 : memref<1x32x1024xf32, #tpu.memory_space<hbm>> -> memref<32x1024xf32, #tpu.memory_space<hbm>>
    tpu.wait_dma2 semaphore(%arg10 : memref<!tpu.dma_semaphore, #tpu.memory_space<semaphore_mem>>) src(%arg6 : memref<32x1024xf32, #tpu.memory_space<vmem>>) dst(%dma_wait3A_573 : memref<32x1024xf32, #tpu.memory_space<hbm>>)
    %add3A_574 = arith.constant 160 : i32
    %add3A_575 = arith.addi %mul3A_2, %add3A_574 : i32
    %dma_wait3A_576 = arith.constant 1 : i32
    %dma_wait3A_577 = arith.constant 0 : i32
    %dma_wait3A_578 = tpu.memref_slice %arg3[%dma_wait3A_576, %add3A_575, %dma_wait3A_577] : memref<4x8192x1024xf32, #tpu.memory_space<hbm>> -> memref<1x32x1024xf32, #tpu.memory_space<hbm>>
    %dma_wait3A_579 = tpu.memref_squeeze %dma_wait3A_578 : memref<1x32x1024xf32, #tpu.memory_space<hbm>> -> memref<32x1024xf32, #tpu.memory_space<hbm>>
    %dma_wait3A_580 = arith.constant 0 : i32
    %dma_wait3A_581 = tpu.memref_slice %arg3[%dma_wait3A_576, %add3A_575, %dma_wait3A_580] : memref<4x8192x1024xf32, #tpu.memory_space<hbm>> -> memref<1x32x1024xf32, #tpu.memory_space<hbm>>
    %dma_wait3A_582 = tpu.memref_squeeze %dma_wait3A_581 : memref<1x32x1024xf32, #tpu.memory_space<hbm>> -> memref<32x1024xf32, #tpu.memory_space<hbm>>
    tpu.wait_dma2 semaphore(%arg10 : memref<!tpu.dma_semaphore, #tpu.memory_space<semaphore_mem>>) src(%arg6 : memref<32x1024xf32, #tpu.memory_space<vmem>>) dst(%dma_wait3A_582 : memref<32x1024xf32, #tpu.memory_space<hbm>>)
    %add3A_583 = arith.constant 160 : i32
    %add3A_584 = arith.addi %mul3A_2, %add3A_583 : i32
    %dma_wait3A_585 = arith.constant 2 : i32
    %dma_wait3A_586 = arith.constant 0 : i32
    %dma_wait3A_587 = tpu.memref_slice %arg3[%dma_wait3A_585, %add3A_584, %dma_wait3A_586] : memref<4x8192x1024xf32, #tpu.memory_space<hbm>> -> memref<1x32x1024xf32, #tpu.memory_space<hbm>>
    %dma_wait3A_588 = tpu.memref_squeeze %dma_wait3A_587 : memref<1x32x1024xf32, #tpu.memory_space<hbm>> -> memref<32x1024xf32, #tpu.memory_space<hbm>>
    %dma_wait3A_589 = arith.constant 0 : i32
    %dma_wait3A_590 = tpu.memref_slice %arg3[%dma_wait3A_585, %add3A_584, %dma_wait3A_589] : memref<4x8192x1024xf32, #tpu.memory_space<hbm>> -> memref<1x32x1024xf32, #tpu.memory_space<hbm>>
    %dma_wait3A_591 = tpu.memref_squeeze %dma_wait3A_590 : memref<1x32x1024xf32, #tpu.memory_space<hbm>> -> memref<32x1024xf32, #tpu.memory_space<hbm>>
    tpu.wait_dma2 semaphore(%arg10 : memref<!tpu.dma_semaphore, #tpu.memory_space<semaphore_mem>>) src(%arg6 : memref<32x1024xf32, #tpu.memory_space<vmem>>) dst(%dma_wait3A_591 : memref<32x1024xf32, #tpu.memory_space<hbm>>)
    %add3A_592 = arith.constant 160 : i32
    %add3A_593 = arith.addi %mul3A_2, %add3A_592 : i32
    %dma_wait3A_594 = arith.constant 3 : i32
    %dma_wait3A_595 = arith.constant 0 : i32
    %dma_wait3A_596 = tpu.memref_slice %arg3[%dma_wait3A_594, %add3A_593, %dma_wait3A_595] : memref<4x8192x1024xf32, #tpu.memory_space<hbm>> -> memref<1x32x1024xf32, #tpu.memory_space<hbm>>
    %dma_wait3A_597 = tpu.memref_squeeze %dma_wait3A_596 : memref<1x32x1024xf32, #tpu.memory_space<hbm>> -> memref<32x1024xf32, #tpu.memory_space<hbm>>
    %dma_wait3A_598 = arith.constant 0 : i32
    %dma_wait3A_599 = tpu.memref_slice %arg3[%dma_wait3A_594, %add3A_593, %dma_wait3A_598] : memref<4x8192x1024xf32, #tpu.memory_space<hbm>> -> memref<1x32x1024xf32, #tpu.memory_space<hbm>>
    %dma_wait3A_600 = tpu.memref_squeeze %dma_wait3A_599 : memref<1x32x1024xf32, #tpu.memory_space<hbm>> -> memref<32x1024xf32, #tpu.memory_space<hbm>>
    tpu.wait_dma2 semaphore(%arg10 : memref<!tpu.dma_semaphore, #tpu.memory_space<semaphore_mem>>) src(%arg6 : memref<32x1024xf32, #tpu.memory_space<vmem>>) dst(%dma_wait3A_600 : memref<32x1024xf32, #tpu.memory_space<hbm>>)
    %add3A_601 = arith.constant 192 : i32
    %add3A_602 = arith.addi %mul3A_2, %add3A_601 : i32
    %dma_wait3A_603 = arith.constant 0 : i32
    %dma_wait3A_604 = arith.constant 0 : i32
    %dma_wait3A_605 = tpu.memref_slice %arg3[%dma_wait3A_603, %add3A_602, %dma_wait3A_604] : memref<4x8192x1024xf32, #tpu.memory_space<hbm>> -> memref<1x32x1024xf32, #tpu.memory_space<hbm>>
    %dma_wait3A_606 = tpu.memref_squeeze %dma_wait3A_605 : memref<1x32x1024xf32, #tpu.memory_space<hbm>> -> memref<32x1024xf32, #tpu.memory_space<hbm>>
    %dma_wait3A_607 = arith.constant 0 : i32
    %dma_wait3A_608 = tpu.memref_slice %arg3[%dma_wait3A_603, %add3A_602, %dma_wait3A_607] : memref<4x8192x1024xf32, #tpu.memory_space<hbm>> -> memref<1x32x1024xf32, #tpu.memory_space<hbm>>
    %dma_wait3A_609 = tpu.memref_squeeze %dma_wait3A_608 : memref<1x32x1024xf32, #tpu.memory_space<hbm>> -> memref<32x1024xf32, #tpu.memory_space<hbm>>
    tpu.wait_dma2 semaphore(%arg8 : memref<!tpu.dma_semaphore, #tpu.memory_space<semaphore_mem>>) src(%arg4 : memref<32x1024xf32, #tpu.memory_space<vmem>>) dst(%dma_wait3A_609 : memref<32x1024xf32, #tpu.memory_space<hbm>>)
    %add3A_610 = arith.constant 192 : i32
    %add3A_611 = arith.addi %mul3A_2, %add3A_610 : i32
    %dma_wait3A_612 = arith.constant 1 : i32
    %dma_wait3A_613 = arith.constant 0 : i32
    %dma_wait3A_614 = tpu.memref_slice %arg3[%dma_wait3A_612, %add3A_611, %dma_wait3A_613] : memref<4x8192x1024xf32, #tpu.memory_space<hbm>> -> memref<1x32x1024xf32, #tpu.memory_space<hbm>>
    %dma_wait3A_615 = tpu.memref_squeeze %dma_wait3A_614 : memref<1x32x1024xf32, #tpu.memory_space<hbm>> -> memref<32x1024xf32, #tpu.memory_space<hbm>>
    %dma_wait3A_616 = arith.constant 0 : i32
    %dma_wait3A_617 = tpu.memref_slice %arg3[%dma_wait3A_612, %add3A_611, %dma_wait3A_616] : memref<4x8192x1024xf32, #tpu.memory_space<hbm>> -> memref<1x32x1024xf32, #tpu.memory_space<hbm>>
    %dma_wait3A_618 = tpu.memref_squeeze %dma_wait3A_617 : memref<1x32x1024xf32, #tpu.memory_space<hbm>> -> memref<32x1024xf32, #tpu.memory_space<hbm>>
    tpu.wait_dma2 semaphore(%arg8 : memref<!tpu.dma_semaphore, #tpu.memory_space<semaphore_mem>>) src(%arg4 : memref<32x1024xf32, #tpu.memory_space<vmem>>) dst(%dma_wait3A_618 : memref<32x1024xf32, #tpu.memory_space<hbm>>)
    %add3A_619 = arith.constant 192 : i32
    %add3A_620 = arith.addi %mul3A_2, %add3A_619 : i32
    %dma_wait3A_621 = arith.constant 2 : i32
    %dma_wait3A_622 = arith.constant 0 : i32
    %dma_wait3A_623 = tpu.memref_slice %arg3[%dma_wait3A_621, %add3A_620, %dma_wait3A_622] : memref<4x8192x1024xf32, #tpu.memory_space<hbm>> -> memref<1x32x1024xf32, #tpu.memory_space<hbm>>
    %dma_wait3A_624 = tpu.memref_squeeze %dma_wait3A_623 : memref<1x32x1024xf32, #tpu.memory_space<hbm>> -> memref<32x1024xf32, #tpu.memory_space<hbm>>
    %dma_wait3A_625 = arith.constant 0 : i32
    %dma_wait3A_626 = tpu.memref_slice %arg3[%dma_wait3A_621, %add3A_620, %dma_wait3A_625] : memref<4x8192x1024xf32, #tpu.memory_space<hbm>> -> memref<1x32x1024xf32, #tpu.memory_space<hbm>>
    %dma_wait3A_627 = tpu.memref_squeeze %dma_wait3A_626 : memref<1x32x1024xf32, #tpu.memory_space<hbm>> -> memref<32x1024xf32, #tpu.memory_space<hbm>>
    tpu.wait_dma2 semaphore(%arg8 : memref<!tpu.dma_semaphore, #tpu.memory_space<semaphore_mem>>) src(%arg4 : memref<32x1024xf32, #tpu.memory_space<vmem>>) dst(%dma_wait3A_627 : memref<32x1024xf32, #tpu.memory_space<hbm>>)
    %add3A_628 = arith.constant 192 : i32
    %add3A_629 = arith.addi %mul3A_2, %add3A_628 : i32
    %dma_wait3A_630 = arith.constant 3 : i32
    %dma_wait3A_631 = arith.constant 0 : i32
    %dma_wait3A_632 = tpu.memref_slice %arg3[%dma_wait3A_630, %add3A_629, %dma_wait3A_631] : memref<4x8192x1024xf32, #tpu.memory_space<hbm>> -> memref<1x32x1024xf32, #tpu.memory_space<hbm>>
    %dma_wait3A_633 = tpu.memref_squeeze %dma_wait3A_632 : memref<1x32x1024xf32, #tpu.memory_space<hbm>> -> memref<32x1024xf32, #tpu.memory_space<hbm>>
    %dma_wait3A_634 = arith.constant 0 : i32
    %dma_wait3A_635 = tpu.memref_slice %arg3[%dma_wait3A_630, %add3A_629, %dma_wait3A_634] : memref<4x8192x1024xf32, #tpu.memory_space<hbm>> -> memref<1x32x1024xf32, #tpu.memory_space<hbm>>
    %dma_wait3A_636 = tpu.memref_squeeze %dma_wait3A_635 : memref<1x32x1024xf32, #tpu.memory_space<hbm>> -> memref<32x1024xf32, #tpu.memory_space<hbm>>
    tpu.wait_dma2 semaphore(%arg8 : memref<!tpu.dma_semaphore, #tpu.memory_space<semaphore_mem>>) src(%arg4 : memref<32x1024xf32, #tpu.memory_space<vmem>>) dst(%dma_wait3A_636 : memref<32x1024xf32, #tpu.memory_space<hbm>>)
    %add3A_637 = arith.constant 224 : i32
    %add3A_638 = arith.addi %mul3A_2, %add3A_637 : i32
    %dma_wait3A_639 = arith.constant 0 : i32
    %dma_wait3A_640 = arith.constant 0 : i32
    %dma_wait3A_641 = tpu.memref_slice %arg3[%dma_wait3A_639, %add3A_638, %dma_wait3A_640] : memref<4x8192x1024xf32, #tpu.memory_space<hbm>> -> memref<1x32x1024xf32, #tpu.memory_space<hbm>>
    %dma_wait3A_642 = tpu.memref_squeeze %dma_wait3A_641 : memref<1x32x1024xf32, #tpu.memory_space<hbm>> -> memref<32x1024xf32, #tpu.memory_space<hbm>>
    %dma_wait3A_643 = arith.constant 0 : i32
    %dma_wait3A_644 = tpu.memref_slice %arg3[%dma_wait3A_639, %add3A_638, %dma_wait3A_643] : memref<4x8192x1024xf32, #tpu.memory_space<hbm>> -> memref<1x32x1024xf32, #tpu.memory_space<hbm>>
    %dma_wait3A_645 = tpu.memref_squeeze %dma_wait3A_644 : memref<1x32x1024xf32, #tpu.memory_space<hbm>> -> memref<32x1024xf32, #tpu.memory_space<hbm>>
    tpu.wait_dma2 semaphore(%arg9 : memref<!tpu.dma_semaphore, #tpu.memory_space<semaphore_mem>>) src(%arg5 : memref<32x1024xf32, #tpu.memory_space<vmem>>) dst(%dma_wait3A_645 : memref<32x1024xf32, #tpu.memory_space<hbm>>)
    %add3A_646 = arith.constant 224 : i32
    %add3A_647 = arith.addi %mul3A_2, %add3A_646 : i32
    %dma_wait3A_648 = arith.constant 1 : i32
    %dma_wait3A_649 = arith.constant 0 : i32
    %dma_wait3A_650 = tpu.memref_slice %arg3[%dma_wait3A_648, %add3A_647, %dma_wait3A_649] : memref<4x8192x1024xf32, #tpu.memory_space<hbm>> -> memref<1x32x1024xf32, #tpu.memory_space<hbm>>
    %dma_wait3A_651 = tpu.memref_squeeze %dma_wait3A_650 : memref<1x32x1024xf32, #tpu.memory_space<hbm>> -> memref<32x1024xf32, #tpu.memory_space<hbm>>
    %dma_wait3A_652 = arith.constant 0 : i32
    %dma_wait3A_653 = tpu.memref_slice %arg3[%dma_wait3A_648, %add3A_647, %dma_wait3A_652] : memref<4x8192x1024xf32, #tpu.memory_space<hbm>> -> memref<1x32x1024xf32, #tpu.memory_space<hbm>>
    %dma_wait3A_654 = tpu.memref_squeeze %dma_wait3A_653 : memref<1x32x1024xf32, #tpu.memory_space<hbm>> -> memref<32x1024xf32, #tpu.memory_space<hbm>>
    tpu.wait_dma2 semaphore(%arg9 : memref<!tpu.dma_semaphore, #tpu.memory_space<semaphore_mem>>) src(%arg5 : memref<32x1024xf32, #tpu.memory_space<vmem>>) dst(%dma_wait3A_654 : memref<32x1024xf32, #tpu.memory_space<hbm>>)
    %add3A_655 = arith.constant 224 : i32
    %add3A_656 = arith.addi %mul3A_2, %add3A_655 : i32
    %dma_wait3A_657 = arith.constant 2 : i32
    %dma_wait3A_658 = arith.constant 0 : i32
    %dma_wait3A_659 = tpu.memref_slice %arg3[%dma_wait3A_657, %add3A_656, %dma_wait3A_658] : memref<4x8192x1024xf32, #tpu.memory_space<hbm>> -> memref<1x32x1024xf32, #tpu.memory_space<hbm>>
    %dma_wait3A_660 = tpu.memref_squeeze %dma_wait3A_659 : memref<1x32x1024xf32, #tpu.memory_space<hbm>> -> memref<32x1024xf32, #tpu.memory_space<hbm>>
    %dma_wait3A_661 = arith.constant 0 : i32
    %dma_wait3A_662 = tpu.memref_slice %arg3[%dma_wait3A_657, %add3A_656, %dma_wait3A_661] : memref<4x8192x1024xf32, #tpu.memory_space<hbm>> -> memref<1x32x1024xf32, #tpu.memory_space<hbm>>
    %dma_wait3A_663 = tpu.memref_squeeze %dma_wait3A_662 : memref<1x32x1024xf32, #tpu.memory_space<hbm>> -> memref<32x1024xf32, #tpu.memory_space<hbm>>
    tpu.wait_dma2 semaphore(%arg9 : memref<!tpu.dma_semaphore, #tpu.memory_space<semaphore_mem>>) src(%arg5 : memref<32x1024xf32, #tpu.memory_space<vmem>>) dst(%dma_wait3A_663 : memref<32x1024xf32, #tpu.memory_space<hbm>>)
    %add3A_664 = arith.constant 224 : i32
    %add3A_665 = arith.addi %mul3A_2, %add3A_664 : i32
    %dma_wait3A_666 = arith.constant 3 : i32
    %dma_wait3A_667 = arith.constant 0 : i32
    %dma_wait3A_668 = tpu.memref_slice %arg3[%dma_wait3A_666, %add3A_665, %dma_wait3A_667] : memref<4x8192x1024xf32, #tpu.memory_space<hbm>> -> memref<1x32x1024xf32, #tpu.memory_space<hbm>>
    %dma_wait3A_669 = tpu.memref_squeeze %dma_wait3A_668 : memref<1x32x1024xf32, #tpu.memory_space<hbm>> -> memref<32x1024xf32, #tpu.memory_space<hbm>>
    %dma_wait3A_670 = arith.constant 0 : i32
    %dma_wait3A_671 = tpu.memref_slice %arg3[%dma_wait3A_666, %add3A_665, %dma_wait3A_670] : memref<4x8192x1024xf32, #tpu.memory_space<hbm>> -> memref<1x32x1024xf32, #tpu.memory_space<hbm>>
    %dma_wait3A_672 = tpu.memref_squeeze %dma_wait3A_671 : memref<1x32x1024xf32, #tpu.memory_space<hbm>> -> memref<32x1024xf32, #tpu.memory_space<hbm>>
    tpu.wait_dma2 semaphore(%arg9 : memref<!tpu.dma_semaphore, #tpu.memory_space<semaphore_mem>>) src(%arg5 : memref<32x1024xf32, #tpu.memory_space<vmem>>) dst(%dma_wait3A_672 : memref<32x1024xf32, #tpu.memory_space<hbm>>)
    return
  }
}

</mosaic_0001>

<sc_bundles>
// kernel: kernel.3.cloned.1.call-start
scs
__scs_entry_jumppad:
0x0: {  	(pc) =	sbr.rel $0x88, $3  }
0x1: {  	(tag) =	ssettag $0x0;
	lr =	simm.s32 $0x1  }
0x2: {  	[smem:$0x3FA0] =	sst lr;
	_ =	strace $0xD0000000  }
0x3: {  	_ = 	snop  }
0x4: {  	_ = 	snop  }
0x5: {  	_ = 	snop  }
0x6: {  	_ = 	snop  }
0x7: {  	_ = 	snop  }
__scs_overlays_trampoline_lowered:
0x8: {  	[smem:$0x3FAF] =	sst s0  }
0x9: {  	[smem:$0x3FB0] =	sst s1  }
0xa: {  	[smem:$0x3FB1] =	sst s2  }
0xb: {  	[smem:$0x3FB2] =	sst s3  }
0xc: {  	[smem:$0x3FB3] =	sst s4  }
0xd: {  	[smem:$0x3FB4] =	sst s5  }
0xe: {  	[smem:$0x3FB5] =	sst s6  }
0xf: {  	[smem:$0x3FB6] =	sst s7  }
0x10: {  	[smem:$0x3FB7] =	sst s8  }
0x11: {  	[smem:$0x3FB8] =	sst s9;
	s0 =	simm.s32 @!p0 $0x0  }
0x12: {  	s1 =	sld [smem:$0x3F9E];
	s0 =	simm.s32 @p0 $0x1  }
0x13: {  	[smem:$0x3FB9] =	sst s0;
	s0 =	simm.s32 @!p1 $0x0  }
0x14: {  	s2 =	sld [smem:$0x3F9D];
	s0 =	simm.s32 @p1 $0x1  }
0x15: {  	[smem:$0x3FBA] =	sst s0;
	s0 =	simm.s32 @!p2 $0x0  }
0x16: {  	s3 =	sld [smem:$0x3FDB];
	s0 =	simm.s32 @p2 $0x1  }
0x17: {  	s4 =	simm.s32 $0x1BF5;
	[smem:$0x3FBC] =	sst s0  }
0x18: {  	s0 =	sld [smem:$0x3F9F];
	_ =	swait.ge [sflag:s4], $0x0  }
0x19: {  	s7 =	sld [smem:$0x3FA0]  }
0x1a: {  	s8 =	sadd.s32 $0xFFFFE003, lr  }
0x1b: {  	s9 =	sadd.s32 $0xFFFFFEF7, lr;
	s5 =	simm.s32 $0xFFFFFFFF;
	p2 =	slt.u32 s8, $0xFFFFF086  }
0x1c: {  	p1 =	slt.u32 s9, $0xF7A;
	s5 =	simm.s32 @!p2 $0x0  }
0x1d: {  	s5 =	simm.s32 @p1 $0x1;
	p0 =	seq.s32 s7, s2  }
0x1e: {  	s7 =	smul.u32 @!p0 $0xF7A, s2;
	p2 =	seq.s32 @!p0 s5, $0x0  }
0x1f: {  	s9 =	smul.u32 $0xF7A, s1;
	s8 =	simm.s32 @!p0 $0x1BF5;
	p2 =	por !p2, p0  }
0x20: {  	[sflag:s8] =	ssyncset.s32 @!p0 $0xFFFFF086;
	s6 =	sadd.s32 @!p0 s3, s7;
	s7 =	simm.s32 @!p0 $0x108  }
0x21: {  	s3 =	sadd.s32 s3, s9;
	s6 =	sadd.s32 @!p0 $0x88, s6;
	s7 =	simm.s32 @p2 $0x1082  }
0x22: {  	[simem:s7], [sflag:s8] =	dma.local @!p0 [hbm:s6], $0xF7A  }
0x23: {  	s9 =	sor.u32 $0xD0000000, s2;
	s6 =	simm.s32 $0x108;
	_ =	swait.ge @!p0 [sflag:s8], $0x0  }
0x24: {  	s3 =	sadd.s32 $0x88, s3;
	s6 =	simm.s32 @!p1 $0x1082;
	[sflag:s4] =	ssyncset.s32 $0xFFFFF086  }
0x25: {  	[simem:s6], [sflag:s4] =	dma.local [hbm:s3], $0xF7A  }
0x26: {  	[smem:$0x3FA0] =	sst s1;
	(tag) =	ssettag s2;
	_ =	strace s9  }
0x27: {  	s1 =	sld [smem:$0x3FB0]  }
0x28: {  	s2 =	sld [smem:$0x3FB1]  }
0x29: {  	s4 =	sld [smem:$0x3FB3]  }
0x2a: {  	p0 =	seq.s32 s5, $0x0;
	s5 =	sld [smem:$0x3FB4]  }
0x2b: {  	s6 =	sld [smem:$0x3FB5]  }
0x2c: {  	s7 =	sld [smem:$0x3FB6]  }
0x2d: {  	s3 =	simm.s32 $0x108;
	s8 =	sld [smem:$0x3FB7]  }
0x2e: {  	s3 =	simm.s32 @!p0 $0x1082;
	s9 =	sld [smem:$0x3FB8]  }
0x2f: {  	lr =	sadd.s32 s0, s3;
	s0 =	sld [smem:$0x3FAF]  }
0x30: {  	s3 =	sld [smem:$0x3FB2]  }
0x31: {  	[smem:$0x3FBB] =	sst s10  }
0x32: {  	s10 =	sld [smem:$0x3FB9];
	_ =	sdelay $0x3  }
0x33: {  	p0 =	seq.s32 s10, $0x1;
	s10 =	sld [smem:$0x3FBB];
	_ =	sdelay $0x3  }
0x34: {  	[smem:$0x3FBB] =	sst s10  }
0x35: {  	s10 =	sld [smem:$0x3FBA];
	_ =	sdelay $0x3  }
0x36: {  	p1 =	seq.s32 s10, $0x1;
	s10 =	sld [smem:$0x3FBB];
	_ =	sdelay $0x3  }
0x37: {  	[smem:$0x3FBB] =	sst s10  }
0x38: {  	s10 =	sld [smem:$0x3FBC]  }
0x39: {  	_ = 	snop;
	(pc) =	sbr.ind lr, $3  }
0x3a: {  	_ = 	snop  }
0x3b: {  	_ = 	snop  }
0x3c: {  	p2 =	seq.s32 s10, $0x1;
	s10 =	sld [smem:$0x3FBB]  }
0x3d: {  	_ =	shalt  }
0x3e: {  	_ =	shalt  }
0x3f: {  	_ =	shalt  }
0x40: {  	_ =	shalt  }
0x41: {  	_ =	shalt  }
0x42: {  	_ =	shalt  }
0x43: {  	_ =	shalt  }
0x44: {  	_ =	shalt  }
0x45: {  	_ =	shalt  }
0x46: {  	_ =	shalt  }
0x47: {  	_ =	shalt  }
0x48: {  	_ =	shalt  }
0x49: {  	_ =	shalt  }
0x4a: {  	_ =	shalt  }
0x4b: {  	_ =	shalt  }
0x4c: {  	_ =	shalt  }
0x4d: {  	_ =	shalt  }
0x4e: {  	_ =	shalt  }
0x4f: {  	_ =	shalt  }
0x50: {  	_ =	shalt  }
0x51: {  	_ =	shalt  }
0x52: {  	_ =	shalt  }
0x53: {  	_ =	shalt  }
0x54: {  	_ =	shalt  }
0x55: {  	_ =	shalt  }
0x56: {  	_ =	shalt  }
0x57: {  	_ =	shalt  }
0x58: {  	_ =	shalt  }
0x59: {  	_ =	shalt  }
0x5a: {  	_ =	shalt  }
0x5b: {  	_ =	shalt  }
0x5c: {  	_ =	shalt  }
0x5d: {  	_ =	shalt  }
0x5e: {  	_ =	shalt  }
0x5f: {  	_ =	shalt  }
0x60: {  	_ =	shalt  }
0x61: {  	_ =	shalt  }
0x62: {  	_ =	shalt  }
0x63: {  	_ =	shalt  }
0x64: {  	_ =	shalt  }
0x65: {  	_ =	shalt  }
0x66: {  	_ =	shalt  }
0x67: {  	_ =	shalt  }
0x68: {  	_ =	shalt  }
0x69: {  	_ =	shalt  }
0x6a: {  	_ =	shalt  }
0x6b: {  	_ =	shalt  }
0x6c: {  	_ =	shalt  }
0x6d: {  	_ =	shalt  }
0x6e: {  	_ =	shalt  }
0x6f: {  	_ =	shalt  }
0x70: {  	_ =	shalt  }
0x71: {  	_ =	shalt  }
0x72: {  	_ =	shalt  }
0x73: {  	_ =	shalt  }
0x74: {  	_ =	shalt  }
0x75: {  	_ =	shalt  }
0x76: {  	_ =	shalt  }
0x77: {  	_ =	shalt  }
0x78: {  	_ =	shalt  }
0x79: {  	_ =	shalt  }
0x7a: {  	_ =	shalt  }
0x7b: {  	_ =	shalt  }
0x7c: {  	_ =	shalt  }
0x7d: {  	_ =	shalt  }
0x7e: {  	_ =	shalt  }
0x7f: {  	_ =	shalt  }
0x80: {  	_ =	shalt  }
0x81: {  	_ =	shalt  }
0x82: {  	_ =	shalt  }
0x83: {  	_ =	shalt  }
0x84: {  	_ =	shalt  }
0x85: {  	_ =	shalt  }
0x86: {  	_ =	shalt  }
0x87: {  	_ =	shalt  }
.Lfunc_end0:
.L_simem_size_0:
called_computation_lowered:
.L_overlay_start_0:
0x88: {  	s2 =	sld [smem:$0x3FD9]  }
0x89: {  	s3 =	sld [smem:$0x3FFE];
	_ =	sdelay $0x1  }
0x8a: {  	s1 =	srdreg.scid  }
0x8b: {  	s0 =	sand.u32 $0x1, s1  }
0x8c: {  	s18 =	sshll.u32 s0, $0xA;
	s2 =	sadd.s32 s3, s2  }
0x8d: {  	s2 =	sadd.s32 s2, s18  }
0x8e: {  	[smem:$0x3FC7] =	sst s2  }
0x8f: {  	_ = 	snop  }
0x90: {  	s2 =	sld [smem:$0x3FC9]  }
0x91: {  	s19 =	sld [smem:$0x3FD0];
	(tm) =	ssettm $0x1  }
0x92: {  	s4 =	sld [smem:$0x3FFB];
	_ =	sdelay $0x3  }
0x93: {  	_ =	strace s4  }
0x94: {  	s4 =	sld [smem:$0x3FFC];
	_ =	sdelay $0x3  }
0x95: {  	_ =	strace s4  }
0x96: {  	s4 =	sld [smem:$0x3FFD];
	_ =	sdelay $0x3  }
0x97: {  	_ =	strace s4  }
0x98: {  	_ =	strace $0x8FFFFFFF  }
0x99: {  	s20 =	sld [smem:$0x3FDB];
	_ =	sdelay $0x1  }
0x9a: {  	s5 =	simm.s32 $_scs_section_size  }
0x9b: {  	s6 =	simm.s32 $_size__tile_overlayer_lowered;
	s7 =	simm.s32 $_tile_overlayer_lowered  }
0x9c: {  	s23 =	simm.s32 $0x1BFF;
	s22 =	sshll.u32 s7, $0x1;
	s4 =	sadd.s32 s5, s20  }
0x9d: {  	s8 =	simm.s32 $0x0;
	s21 =	sshll.u32 s6, $0x1;
	s6 =	sadd.s32 s22, s4  }
0x9e: {  	[timem:s8], [sflag:s23] =	dma.local [hbm:s6], s21  }
0x9f: {  	_ =	swait.ge [sflag:s23], s21  }
0xa0: {  	s5 =	ssub.s32 $0x0, s21;
	[sflag:s23] =	ssyncset.done $0x0  }
0xa1: {  	[sflag:s23] =	ssyncadd.s32 s5;
	_ =	sdelay $0x1  }
0xa2: {  	s24 =	simm.s32 $0x1B8B  }
0xa3: {  	_ =	swait.ge [sflag:s24], $0x1  }
0xa4: {  	[sflag:s24] =	ssyncset.done $0x0  }
0xa5: {  	s25 =	simm.s32 $0x1B8E;
	[sflag:s24] =	ssyncadd.s32 $0xFFFFFFFF  }
0xa6: {  	s26 =	simm.s32 $execute0_lowered;
	[smem:$0x3FD2] =	sst s25  }
0xa7: {  	s5 =	sshll.u32 s26, $0x1;
	_ =	strace $0x80000046;
	[dreg:$0x1] =	wrdreg $0xFFFFFFFF  }
0xa8: {  	s28 =	simm.s32 $_size_execute0_lowered;
	s4 =	sadd.s32 s4, s5;
	[dreg:$0x0] =	wrdreg $0x0  }
0xa9: {  	s5 =	sshll.u32 s28, $0x1;
	[dreg:$0x2] =	wrdreg s4  }
0xaa: {  	[dreg:$0x3] =	wrdreg s5  }
0xab: {  	[dreg:$0x4] =	wrdreg $0xC0  }
0xac: {  	_ =	task [dreg:s8], $0x5FFFF  }
0xad: {  	[dreg:$0x1] =	wrdreg $0xFFFFFFFF  }
0xae: {  	[dreg:$0x0] =	wrdreg $0x60  }
0xaf: {  	[dreg:$0x2] =	wrdreg s2  }
0xb0: {  	[dreg:$0x3] =	wrdreg s19  }
0xb1: {  	[dreg:$0x4] =	wrdreg $0x9  }
0xb2: {  	_ =	task.clear_ibuf [dreg:s8], $0x5FFFF;
	_ =	strace $0x90000046  }
0xb3: {  	s29 =	simm.s32 $0x9;
	_ =	strace $0x80000048  }
0xb4: {  	_ =	swait.ge [sflag:s29], $0x1  }
0xb5: {  	[sflag:s29] =	ssyncadd.s32 $0xFFFFFFFF  }
0xb6: {  	_ =	strace $0x90000048  }
0xb7: {  	_ =	sfence  }
0xb8: {  	s30 =	sld [smem:$0x0];
	_ =	sdelay $0x2  }
0xb9: {  	s31 =	sshll.u32 s1, $0xD;
	s1 =	sshrl.u32 s1, $0x2  }
0xba: {  	s3 =	sand.u32 $0x4000, s31;
	s1 =	sadd.s32 s1, s30  }
0xbb: {  	s0 =	sor.u32 s3, s0;
	s1 =	sshll.u32 s1, $0x11  }
0xbc: {  	s0 =	sor.u32 s1, s0  }
0xbd: {  	s0 =	sadd.s32 $0x8F2B, s0  }
0xbe: {  	[sflag:s0] =	ssyncadd.remote.s32 $0x1  }
0xbf: {  	_ =	sfence.sel $0xFFFF  }
0xc0: {  	[dreg:$0x0] =	wrdreg $0xFFFFFFFF;
	(pc) =	sbr.abs _section_cstart, $3  }
0xc1: {  	[dreg:$0x1] =	wrdreg $0xFFFFFFFF  }
0xc2: {  	_ =	task.clear_ibuf [dreg:s8], $0x2FFFF;
	_ =	strace $0x9FFFFFFF  }
0xc3: {  	(tm) =	ssettm $0x7FFFFFFF  }
tec
execute0_lowered:
.L_overlay_start_1:
0x0: {  	(tag) =	ssettag $0x1  }
0x1: {  	s3 =	rddreg [dreg:$0x0];
	s1 =	srdreg.scid  }
0x2: {  	s0 =	rddreg [dreg:$0x1];
	s4 =	stileid.u32;
	s1 =	sand.u32 $0x1, s1  }
0x3: {  	s2 =	simm.s32 $0x0;
	s4 =	sshll.u32 s4, $0x10;
	s5 =	sshll.u32 s1, $0xF  }
0x4: {  	[smem:$0x7FF] =	sst s2;
	s4 =	sor.u32 s5, s4  }
0x5: {  	_ =	strace $0x80000047;
	s5 =	sadd.s32 s3, s4;
	s6 =	sor.u32 $0x1000, s4  }
0x6: {  	s7 =	sor.u32 $0x2000, s4;
	[dreg:$0x3] =	wrdreg s5;
	s20 =	sadd.s32 s3, s6  }
0x7: {  	s31 =	sadd.s32 s0, s4;
	s21 =	sadd.s32 s3, s7;
	[dreg:$0x4] =	wrdreg s20  }
0x8: {  	s22 =	sadd.s32 $0x100000, s31;
	[dreg:$0x5] =	wrdreg s21  }
0x9: {  	s23 =	sadd.s32 $0x200000, s31;
	[dreg:$0x6] =	wrdreg s22  }
0xa: {  	s8 =	sor.u32 $0x3000, s4;
	s24 =	sadd.s32 $0x300000, s31;
	[dreg:$0x7] =	wrdreg s23  }
0xb: {  	s25 =	sadd.s32 s3, s8;
	[dreg:$0x8] =	wrdreg s24  }
0xc: {  	p0 =	por $0x0, $0x0;
	s26 =	sadd.s32 s0, s6;
	[dreg:$0x9] =	wrdreg s25  }
0xd: {  	s1 =	ssub.s32 $0x2, s1;
	s6 =	sadd.s32 $0x101000, s31;
	[dreg:$0xa] =	wrdreg s26  }
0xe: {  	s11 =	sor.u32 $0x4000, s4;
	s9 =	sadd.s32 $0x201000, s31;
	[dreg:$0xb] =	wrdreg s6  }
0xf: {  	s17 =	sor.u32 $0x5000, s4;
	s10 =	sadd.s32 $0x301000, s31;
	[dreg:$0xc] =	wrdreg s9  }
0x10: {  	s12 =	sadd.s32 s3, s11;
	s13 =	sadd.s32 s0, s7;
	[dreg:$0xd] =	wrdreg s10  }
0x11: {  	s14 =	sadd.s32 $0x102000, s31;
	s15 =	sadd.s32 $0x202000, s31;
	[dreg:$0xe] =	wrdreg s12  }
0x12: {  	s16 =	sadd.s32 $0x302000, s31;
	s18 =	sadd.s32 s3, s17;
	[dreg:$0xf] =	wrdreg s13  }
0x13: {  	s19 =	sadd.s32 s0, s8;
	s28 =	sadd.s32 $0x103000, s31;
	[dreg:$0x10] =	wrdreg s14  }
0x14: {  	s29 =	sadd.s32 $0x203000, s31;
	s30 =	sadd.s32 $0x303000, s31;
	[dreg:$0x11] =	wrdreg s15  }
0x15: {  	s7 =	sadd.s32 $0x107000, s31;
	s8 =	sadd.s32 $0x207000, s31;
	[dreg:$0x12] =	wrdreg s16  }
0x16: {  	s5 =	simm.s32 $0x4;
	s9 =	sshrl.u32 s1, $0x1;
	[dreg:$0x13] =	wrdreg s18  }
0x17: {  	[dreg:$0x14] =	wrdreg s19;
	s20 =	sor.u32 $0x6000, s4;
	s22 =	sadd.s32 s0, s11  }
0x18: {  	s23 =	sadd.s32 $0x104000, s31;
	s24 =	sadd.s32 $0x204000, s31;
	s25 =	sadd.s32 $0x304000, s31  }
0x19: {  	s4 =	sor.u32 $0x7000, s4;
	s16 =	sadd.s32 s0, s17;
	s1 =	ssub.s32 s1, s9  }
0x1a: {  	s17 =	sadd.s32 $0x105000, s31;
	s18 =	sadd.s32 $0x205000, s31;
	s26 =	smax.u32 s1, $0x1  }
0x1b: {  	s19 =	sadd.s32 $0x305000, s31;
	s11 =	sadd.s32 $0x106000, s31;
	p1 =	sne.s32 s26, $0x1  }
.Ltmp0:
0x1c: {  	s12 =	sadd.s32 $0x206000, s31;
	s13 =	sadd.s32 $0x306000, s31;
	(pc) =	sbr.rel @!p1 .LBB2_5-.Ltmp0, $4  }
0x1d: {  	s14 =	simm.s32 $0x8000;
	s21 =	sadd.s32 s3, s20;
	s15 =	sadd.s32 s3, s4  }
0x1e: {  	s10 =	sadd.s32 s0, s20;
	s6 =	sadd.s32 s0, s4;
	s9 =	sadd.s32 $0x307000, s31  }
0x1f: {  	s20 =	simm.s32 $0x1;
	s4 =	simm.s32 $0x2;
	s3 =	simm.s32 $0x3  }
0x20: {  	s1 =	rddreg [dreg:$0x3];
	s0 =	sadd.s32 $0xFFFFFFFF, s26;
	s26 =	simm.s32 $0x10000  }
0x21: {  	[dreg:$0x16] =	wrdreg s0  }
0x22: {  	[tilespmem:s2], [sflag:$0x1] =	stream.linear.gather [hbm4b:s1+s2], $0x8000, $0x38;
	[tilespmem:$0x18000] =	vst v63  }
0x23: {  	s0 =	rddreg [dreg:$0x4]  }
0x24: {  	[tilespmem:s14], [sflag:$0x1] =	stream.linear.gather [hbm4b:s0+s2], $0x8000, $0x38;
	[tilespmem:$0x18000] =	vst v63  }
0x25: {  	_ =	swait.ge [sflag:s20], $0x8000  }
0x26: {  	[sflag:s20] =	ssyncset.done $0x0  }
0x27: {  	s1 =	rddreg [dreg:$0x5];
	[sflag:s20] =	ssyncadd.s32 $0xFFFF8000  }
0x28: {  	[tilespmem:s26], [sflag:$0x1] =	stream.linear.gather [hbm4b:s1+s2], $0x8000, $0x38;
	[tilespmem:$0x18000] =	vst v63  }
0x29: {  	_ = 	snop  }
0x2a: {  	[hbm4b:s31+s2] =	stream.linear.scatter [tilespmem:s2], [sflag:$0x2], $0x8000, $0x38;
	[tilespmem:$0x18000] =	vst v63  }
0x2b: {  	s0 =	rddreg [dreg:$0x6]  }
0x2c: {  	[hbm4b:s0+s2] =	stream.linear.scatter [tilespmem:s2], [sflag:$0x2], $0x8000, $0x38;
	[tilespmem:$0x18000] =	vst v63  }
0x2d: {  	s1 =	rddreg [dreg:$0x7]  }
0x2e: {  	[hbm4b:s1+s2] =	stream.linear.scatter [tilespmem:s2], [sflag:$0x2], $0x8000, $0x38;
	[tilespmem:$0x18000] =	vst v63  }
0x2f: {  	s0 =	rddreg [dreg:$0x8]  }
0x30: {  	[hbm4b:s0+s2] =	stream.linear.scatter [tilespmem:s2], [sflag:$0x2], $0x8000, $0x38;
	[tilespmem:$0x18000] =	vst v63  }
0x31: {  	_ =	swait.ge [sflag:s20], $0x8000  }
0x32: {  	[sflag:s20] =	ssyncset.done $0x0  }
0x33: {  	[sflag:s20] =	ssyncadd.s32 $0xFFFF8000  }
0x34: {  	_ =	swait.ge [sflag:s4], $0x8000  }
0x35: {  	[sflag:s4] =	ssyncset.done $0x0  }
0x36: {  	[sflag:s4] =	ssyncadd.s32 $0xFFFF8000  }
0x37: {  	_ =	swait.ge [sflag:s4], $0x8000  }
0x38: {  	[sflag:s4] =	ssyncset.done $0x0  }
0x39: {  	[sflag:s4] =	ssyncadd.s32 $0xFFFF8000  }
0x3a: {  	_ =	swait.ge [sflag:s4], $0x8000  }
0x3b: {  	[sflag:s4] =	ssyncset.done $0x0  }
0x3c: {  	[sflag:s4] =	ssyncadd.s32 $0xFFFF8000  }
0x3d: {  	_ =	swait.ge [sflag:s4], $0x8000  }
0x3e: {  	[sflag:s4] =	ssyncset.done $0x0  }
0x3f: {  	s0 =	rddreg [dreg:$0x9];
	[sflag:s4] =	ssyncadd.s32 $0xFFFF8000  }
0x40: {  	[tilespmem:s2], [sflag:$0x1] =	stream.linear.gather [hbm4b:s0+s2], $0x8000, $0x38;
	[tilespmem:$0x18000] =	vst v63  }
0x41: {  	s1 =	rddreg [dreg:$0xa]  }
0x42: {  	[hbm4b:s1+s2] =	stream.linear.scatter [tilespmem:s14], [sflag:$0x3], $0x8000, $0x38;
	[tilespmem:$0x18000] =	vst v63  }
0x43: {  	s0 =	rddreg [dreg:$0xb]  }
0x44: {  	[hbm4b:s0+s2] =	stream.linear.scatter [tilespmem:s14], [sflag:$0x3], $0x8000, $0x38;
	[tilespmem:$0x18000] =	vst v63  }
0x45: {  	s1 =	rddreg [dreg:$0xc]  }
0x46: {  	[hbm4b:s1+s2] =	stream.linear.scatter [tilespmem:s14], [sflag:$0x3], $0x8000, $0x38;
	[tilespmem:$0x18000] =	vst v63  }
0x47: {  	s0 =	rddreg [dreg:$0xd]  }
0x48: {  	[hbm4b:s0+s2] =	stream.linear.scatter [tilespmem:s14], [sflag:$0x3], $0x8000, $0x38;
	[tilespmem:$0x18000] =	vst v63  }
0x49: {  	_ =	swait.ge [sflag:s20], $0x8000  }
0x4a: {  	[sflag:s20] =	ssyncset.done $0x0  }
0x4b: {  	[sflag:s20] =	ssyncadd.s32 $0xFFFF8000  }
0x4c: {  	_ =	swait.ge [sflag:s3], $0x8000  }
0x4d: {  	[sflag:s3] =	ssyncset.done $0x0  }
0x4e: {  	[sflag:s3] =	ssyncadd.s32 $0xFFFF8000  }
0x4f: {  	_ =	swait.ge [sflag:s3], $0x8000  }
0x50: {  	[sflag:s3] =	ssyncset.done $0x0  }
0x51: {  	[sflag:s3] =	ssyncadd.s32 $0xFFFF8000  }
0x52: {  	_ =	swait.ge [sflag:s3], $0x8000  }
0x53: {  	[sflag:s3] =	ssyncset.done $0x0  }
0x54: {  	[sflag:s3] =	ssyncadd.s32 $0xFFFF8000  }
0x55: {  	_ =	swait.ge [sflag:s3], $0x8000  }
0x56: {  	[sflag:s3] =	ssyncset.done $0x0  }
0x57: {  	s0 =	rddreg [dreg:$0xe];
	[sflag:s3] =	ssyncadd.s32 $0xFFFF8000  }
0x58: {  	[tilespmem:s14], [sflag:$0x1] =	stream.linear.gather [hbm4b:s0+s2], $0x8000, $0x38;
	[tilespmem:$0x18000] =	vst v63  }
0x59: {  	s1 =	rddreg [dreg:$0xf]  }
0x5a: {  	[hbm4b:s1+s2] =	stream.linear.scatter [tilespmem:s26], [sflag:$0x4], $0x8000, $0x38;
	[tilespmem:$0x18000] =	vst v63  }
0x5b: {  	s0 =	rddreg [dreg:$0x10]  }
0x5c: {  	[hbm4b:s0+s2] =	stream.linear.scatter [tilespmem:s26], [sflag:$0x4], $0x8000, $0x38;
	[tilespmem:$0x18000] =	vst v63  }
0x5d: {  	s1 =	rddreg [dreg:$0x11]  }
0x5e: {  	[hbm4b:s1+s2] =	stream.linear.scatter [tilespmem:s26], [sflag:$0x4], $0x8000, $0x38;
	[tilespmem:$0x18000] =	vst v63  }
0x5f: {  	s0 =	rddreg [dreg:$0x12]  }
0x60: {  	[hbm4b:s0+s2] =	stream.linear.scatter [tilespmem:s26], [sflag:$0x4], $0x8000, $0x38;
	[tilespmem:$0x18000] =	vst v63  }
0x61: {  	_ =	swait.ge [sflag:s20], $0x8000  }
0x62: {  	[sflag:s20] =	ssyncset.done $0x0  }
0x63: {  	[sflag:s20] =	ssyncadd.s32 $0xFFFF8000  }
0x64: {  	_ =	swait.ge [sflag:s5], $0x8000  }
0x65: {  	[sflag:s5] =	ssyncset.done $0x0  }
0x66: {  	[sflag:s5] =	ssyncadd.s32 $0xFFFF8000  }
0x67: {  	_ =	swait.ge [sflag:s5], $0x8000  }
0x68: {  	[sflag:s5] =	ssyncset.done $0x0  }
0x69: {  	[sflag:s5] =	ssyncadd.s32 $0xFFFF8000  }
0x6a: {  	_ =	swait.ge [sflag:s5], $0x8000  }
0x6b: {  	[sflag:s5] =	ssyncset.done $0x0  }
0x6c: {  	[sflag:s5] =	ssyncadd.s32 $0xFFFF8000  }
0x6d: {  	_ =	swait.ge [sflag:s5], $0x8000  }
0x6e: {  	[sflag:s5] =	ssyncset.done $0x0  }
0x6f: {  	s0 =	rddreg [dreg:$0x13];
	[sflag:s5] =	ssyncadd.s32 $0xFFFF8000  }
0x70: {  	[tilespmem:s26], [sflag:$0x1] =	stream.linear.gather [hbm4b:s0+s2], $0x8000, $0x38;
	[tilespmem:$0x18000] =	vst v63  }
0x71: {  	s1 =	rddreg [dreg:$0x14]  }
0x72: {  	[hbm4b:s1+s2] =	stream.linear.scatter [tilespmem:s2], [sflag:$0x2], $0x8000, $0x38;
	[tilespmem:$0x18000] =	vst v63  }
0x73: {  	_ = 	snop  }
0x74: {  	[hbm4b:s28+s2] =	stream.linear.scatter [tilespmem:s2], [sflag:$0x2], $0x8000, $0x38;
	[tilespmem:$0x18000] =	vst v63  }
0x75: {  	_ = 	snop  }
0x76: {  	[hbm4b:s29+s2] =	stream.linear.scatter [tilespmem:s2], [sflag:$0x2], $0x8000, $0x38;
	[tilespmem:$0x18000] =	vst v63  }
0x77: {  	_ = 	snop  }
0x78: {  	[hbm4b:s30+s2] =	stream.linear.scatter [tilespmem:s2], [sflag:$0x2], $0x8000, $0x38;
	[tilespmem:$0x18000] =	vst v63  }
0x79: {  	_ =	swait.ge [sflag:s20], $0x8000  }
0x7a: {  	[sflag:s20] =	ssyncset.done $0x0  }
0x7b: {  	[sflag:s20] =	ssyncadd.s32 $0xFFFF8000  }
0x7c: {  	_ =	swait.ge [sflag:s4], $0x8000  }
0x7d: {  	[sflag:s4] =	ssyncset.done $0x0  }
0x7e: {  	[sflag:s4] =	ssyncadd.s32 $0xFFFF8000  }
0x7f: {  	_ =	swait.ge [sflag:s4], $0x8000  }
0x80: {  	[sflag:s4] =	ssyncset.done $0x0  }
0x81: {  	[sflag:s4] =	ssyncadd.s32 $0xFFFF8000  }
0x82: {  	_ =	swait.ge [sflag:s4], $0x8000  }
0x83: {  	[sflag:s4] =	ssyncset.done $0x0  }
0x84: {  	[sflag:s4] =	ssyncadd.s32 $0xFFFF8000  }
0x85: {  	_ =	swait.ge [sflag:s4], $0x8000  }
0x86: {  	[sflag:s4] =	ssyncset.done $0x0  }
0x87: {  	[sflag:s4] =	ssyncadd.s32 $0xFFFF8000  }
0x88: {  	[tilespmem:s2], [sflag:$0x1] =	stream.linear.gather [hbm4b:s21+s2], $0x8000, $0x38;
	[tilespmem:$0x18000] =	vst v63  }
0x89: {  	_ = 	snop  }
0x8a: {  	[hbm4b:s22+s2] =	stream.linear.scatter [tilespmem:s14], [sflag:$0x3], $0x8000, $0x38;
	[tilespmem:$0x18000] =	vst v63  }
0x8b: {  	_ = 	snop  }
0x8c: {  	[hbm4b:s23+s2] =	stream.linear.scatter [tilespmem:s14], [sflag:$0x3], $0x8000, $0x38;
	[tilespmem:$0x18000] =	vst v63  }
0x8d: {  	_ = 	snop  }
0x8e: {  	[hbm4b:s24+s2] =	stream.linear.scatter [tilespmem:s14], [sflag:$0x3], $0x8000, $0x38;
	[tilespmem:$0x18000] =	vst v63  }
0x8f: {  	_ = 	snop  }
0x90: {  	[hbm4b:s25+s2] =	stream.linear.scatter [tilespmem:s14], [sflag:$0x3], $0x8000, $0x38;
	[tilespmem:$0x18000] =	vst v63  }
0x91: {  	_ =	swait.ge [sflag:s20], $0x8000  }
0x92: {  	[sflag:s20] =	ssyncset.done $0x0  }
0x93: {  	[sflag:s20] =	ssyncadd.s32 $0xFFFF8000  }
0x94: {  	_ =	swait.ge [sflag:s3], $0x8000  }
0x95: {  	[sflag:s3] =	ssyncset.done $0x0  }
0x96: {  	[sflag:s3] =	ssyncadd.s32 $0xFFFF8000  }
0x97: {  	_ =	swait.ge [sflag:s3], $0x8000  }
0x98: {  	[sflag:s3] =	ssyncset.done $0x0  }
0x99: {  	[sflag:s3] =	ssyncadd.s32 $0xFFFF8000  }
0x9a: {  	_ =	swait.ge [sflag:s3], $0x8000  }
0x9b: {  	[sflag:s3] =	ssyncset.done $0x0  }
0x9c: {  	[sflag:s3] =	ssyncadd.s32 $0xFFFF8000  }
0x9d: {  	_ =	swait.ge [sflag:s3], $0x8000  }
0x9e: {  	[sflag:s3] =	ssyncset.done $0x0  }
0x9f: {  	[sflag:s3] =	ssyncadd.s32 $0xFFFF8000  }
0xa0: {  	[tilespmem:s14], [sflag:$0x1] =	stream.linear.gather [hbm4b:s15+s2], $0x8000, $0x38;
	[tilespmem:$0x18000] =	vst v63  }
0xa1: {  	_ = 	snop  }
0xa2: {  	[hbm4b:s16+s2] =	stream.linear.scatter [tilespmem:s26], [sflag:$0x4], $0x8000, $0x38;
	[tilespmem:$0x18000] =	vst v63  }
0xa3: {  	_ = 	snop  }
0xa4: {  	[hbm4b:s17+s2] =	stream.linear.scatter [tilespmem:s26], [sflag:$0x4], $0x8000, $0x38;
	[tilespmem:$0x18000] =	vst v63  }
0xa5: {  	_ = 	snop  }
0xa6: {  	[hbm4b:s18+s2] =	stream.linear.scatter [tilespmem:s26], [sflag:$0x4], $0x8000, $0x38;
	[tilespmem:$0x18000] =	vst v63  }
0xa7: {  	_ = 	snop  }
0xa8: {  	[hbm4b:s19+s2] =	stream.linear.scatter [tilespmem:s26], [sflag:$0x4], $0x8000, $0x38;
	[tilespmem:$0x18000] =	vst v63  }
0xa9: {  	_ =	swait.ge [sflag:s20], $0x8000  }
0xaa: {  	[sflag:s20] =	ssyncset.done $0x0  }
0xab: {  	[sflag:s20] =	ssyncadd.s32 $0xFFFF8000  }
0xac: {  	[hbm4b:s10+s2] =	stream.linear.scatter [tilespmem:s2], [sflag:$0x2], $0x8000, $0x38;
	[tilespmem:$0x18000] =	vst v63  }
0xad: {  	_ = 	snop  }
0xae: {  	[hbm4b:s11+s2] =	stream.linear.scatter [tilespmem:s2], [sflag:$0x2], $0x8000, $0x38;
	[tilespmem:$0x18000] =	vst v63  }
0xaf: {  	_ = 	snop  }
0xb0: {  	[hbm4b:s12+s2] =	stream.linear.scatter [tilespmem:s2], [sflag:$0x2], $0x8000, $0x38;
	[tilespmem:$0x18000] =	vst v63  }
0xb1: {  	_ = 	snop  }
0xb2: {  	[hbm4b:s13+s2] =	stream.linear.scatter [tilespmem:s2], [sflag:$0x2], $0x8000, $0x38;
	[tilespmem:$0x18000] =	vst v63  }
0xb3: {  	_ =	swait.ge [sflag:s20], $0x8000  }
0xb4: {  	[sflag:s20] =	ssyncset.done $0x0  }
0xb5: {  	[sflag:s20] =	ssyncadd.s32 $0xFFFF8000  }
0xb6: {  	[hbm4b:s6+s2] =	stream.linear.scatter [tilespmem:s14], [sflag:$0x3], $0x8000, $0x38;
	[tilespmem:$0x18000] =	vst v63  }
0xb7: {  	_ = 	snop  }
0xb8: {  	[hbm4b:s7+s2] =	stream.linear.scatter [tilespmem:s14], [sflag:$0x3], $0x8000, $0x38;
	[tilespmem:$0x18000] =	vst v63  }
0xb9: {  	_ = 	snop  }
0xba: {  	[hbm4b:s8+s2] =	stream.linear.scatter [tilespmem:s14], [sflag:$0x3], $0x8000, $0x38;
	[tilespmem:$0x18000] =	vst v63  }
0xbb: {  	_ = 	snop  }
0xbc: {  	[hbm4b:s9+s2] =	stream.linear.scatter [tilespmem:s14], [sflag:$0x3], $0x8000, $0x38;
	[tilespmem:$0x18000] =	vst v63  }
0xbd: {  	_ =	swait.ge [sflag:s5], $0x8000  }
0xbe: {  	[sflag:s5] =	ssyncset.done $0x0  }
0xbf: {  	[sflag:s5] =	ssyncadd.s32 $0xFFFF8000  }
0xc0: {  	_ =	swait.ge [sflag:s5], $0x8000  }
0xc1: {  	[sflag:s5] =	ssyncset.done $0x0  }
0xc2: {  	[sflag:s5] =	ssyncadd.s32 $0xFFFF8000  }
0xc3: {  	_ =	swait.ge [sflag:s5], $0x8000  }
0xc4: {  	[sflag:s5] =	ssyncset.done $0x0  }
0xc5: {  	[sflag:s5] =	ssyncadd.s32 $0xFFFF8000  }
0xc6: {  	_ =	swait.ge [sflag:s5], $0x8000  }
0xc7: {  	[sflag:s5] =	ssyncset.done $0x0  }
0xc8: {  	[sflag:s5] =	ssyncadd.s32 $0xFFFF8000  }
0xc9: {  	_ =	swait.ge [sflag:s4], $0x8000  }
0xca: {  	[sflag:s4] =	ssyncset.done $0x0  }
0xcb: {  	[sflag:s4] =	ssyncadd.s32 $0xFFFF8000  }
0xcc: {  	_ =	swait.ge [sflag:s4], $0x8000  }
0xcd: {  	[sflag:s4] =	ssyncset.done $0x0  }
0xce: {  	[sflag:s4] =	ssyncadd.s32 $0xFFFF8000  }
0xcf: {  	_ =	swait.ge [sflag:s4], $0x8000  }
0xd0: {  	[sflag:s4] =	ssyncset.done $0x0  }
0xd1: {  	[sflag:s4] =	ssyncadd.s32 $0xFFFF8000  }
0xd2: {  	_ =	swait.ge [sflag:s4], $0x8000  }
0xd3: {  	[sflag:s4] =	ssyncset.done $0x0  }
0xd4: {  	[sflag:s4] =	ssyncadd.s32 $0xFFFF8000  }
0xd5: {  	_ =	swait.ge [sflag:s3], $0x8000  }
0xd6: {  	[sflag:s3] =	ssyncset.done $0x0  }
0xd7: {  	[sflag:s3] =	ssyncadd.s32 $0xFFFF8000  }
0xd8: {  	_ =	swait.ge [sflag:s3], $0x8000  }
0xd9: {  	[sflag:s3] =	ssyncset.done $0x0  }
0xda: {  	[sflag:s3] =	ssyncadd.s32 $0xFFFF8000  }
0xdb: {  	_ =	swait.ge [sflag:s3], $0x8000  }
0xdc: {  	s1 =	rddreg [dreg:$0x16]  }
0xdd: {  	p1 =	sne.s32 s1, $0x1  }
.Ltmp1:
0xde: {  	_ = 	snop;
	(pc) =	sbr.rel @!p1 .LBB2_2-.Ltmp1, $4  }
0xdf: {  	[sflag:s3] =	ssyncset.done $0x0  }
0xe0: {  	[sflag:s3] =	ssyncadd.s32 $0xFFFF8000  }
0xe1: {  	p0 =	por $0x1, $0x1;
	_ =	swait.ge [sflag:s3], $0x8000;
	[dreg:$0x15] =	wrdreg s31  }
0xe2: {  	s0 =	sadd.s32 $0xFFFFFFFF, s1;
	s1 =	rddreg [dreg:$0x3];
	[sflag:s3] =	ssyncset.done $0x0  }
.LBB2_3:
0xe3: {  	[sflag:s3] =	ssyncadd.s32 $0xFFFF8000;
	s31 =	smov.u32 s30  }
0xe4: {  	s30 =	smov.u32 s29;
	s29 =	smov.u32 s28;
	s28 =	smov.u32 s25  }
0xe5: {  	s25 =	smov.u32 s24;
	s24 =	smov.u32 s23;
	s23 =	smov.u32 s22  }
0xe6: {  	s22 =	smov.u32 s21;
	s21 =	smov.u32 s19;
	s19 =	smov.u32 s18  }
0xe7: {  	s18 =	smov.u32 s17;
	s17 =	smov.u32 s16;
	s16 =	smov.u32 s15  }
0xe8: {  	s15 =	smov.u32 s13;
	s13 =	smov.u32 s12;
	s12 =	smov.u32 s11  }
0xe9: {  	s11 =	smov.u32 s10;
	s10 =	smov.u32 s9;
	s9 =	smov.u32 s8  }
0xea: {  	[tilespmem:s2], [sflag:$0x1] =	stream.linear.gather [hbm4b:s1+s2], $0x8000, $0x38;
	[tilespmem:$0x18000] =	vst v63  }
0xeb: {  	s8 =	smov.u32 s7;
	s7 =	smov.u32 s6;
	s6 =	rddreg [dreg:$0x4]  }
0xec: {  	[tilespmem:s14], [sflag:$0x1] =	stream.linear.gather [hbm4b:s6+s2], $0x8000, $0x38;
	[tilespmem:$0x18000] =	vst v63  }
0xed: {  	_ =	swait.ge [sflag:s20], $0x8000  }
0xee: {  	[sflag:s20] =	ssyncset.done $0x0  }
0xef: {  	s6 =	rddreg [dreg:$0x5];
	[sflag:s20] =	ssyncadd.s32 $0xFFFF8000  }
0xf0: {  	[tilespmem:s26], [sflag:$0x1] =	stream.linear.gather [hbm4b:s6+s2], $0x8000, $0x38;
	[tilespmem:$0x18000] =	vst v63  }
0xf1: {  	s6 =	rddreg [dreg:$0x15]  }
0xf2: {  	[hbm4b:s6+s2] =	stream.linear.scatter [tilespmem:s2], [sflag:$0x2], $0x8000, $0x38;
	[tilespmem:$0x18000] =	vst v63  }
0xf3: {  	s1 =	rddreg [dreg:$0x6]  }
0xf4: {  	[hbm4b:s1+s2] =	stream.linear.scatter [tilespmem:s2], [sflag:$0x2], $0x8000, $0x38;
	[tilespmem:$0x18000] =	vst v63  }
0xf5: {  	s6 =	rddreg [dreg:$0x7]  }
0xf6: {  	[hbm4b:s6+s2] =	stream.linear.scatter [tilespmem:s2], [sflag:$0x2], $0x8000, $0x38;
	[tilespmem:$0x18000] =	vst v63  }
0xf7: {  	s1 =	rddreg [dreg:$0x8]  }
0xf8: {  	[hbm4b:s1+s2] =	stream.linear.scatter [tilespmem:s2], [sflag:$0x2], $0x8000, $0x38;
	[tilespmem:$0x18000] =	vst v63  }
0xf9: {  	_ =	swait.ge [sflag:s20], $0x8000  }
0xfa: {  	[sflag:s20] =	ssyncset.done $0x0  }
0xfb: {  	[sflag:s20] =	ssyncadd.s32 $0xFFFF8000  }
0xfc: {  	_ =	swait.ge [sflag:s4], $0x8000  }
0xfd: {  	[sflag:s4] =	ssyncset.done $0x0  }
0xfe: {  	[sflag:s4] =	ssyncadd.s32 $0xFFFF8000  }
0xff: {  	_ =	swait.ge [sflag:s4], $0x8000  }
0x100: {  	[sflag:s4] =	ssyncset.done $0x0  }
0x101: {  	[sflag:s4] =	ssyncadd.s32 $0xFFFF8000  }
0x102: {  	_ =	swait.ge [sflag:s4], $0x8000  }
0x103: {  	[sflag:s4] =	ssyncset.done $0x0  }
0x104: {  	[sflag:s4] =	ssyncadd.s32 $0xFFFF8000  }
0x105: {  	_ =	swait.ge [sflag:s4], $0x8000  }
0x106: {  	[sflag:s4] =	ssyncset.done $0x0  }
0x107: {  	s1 =	rddreg [dreg:$0x9];
	[sflag:s4] =	ssyncadd.s32 $0xFFFF8000  }
0x108: {  	[tilespmem:s2], [sflag:$0x1] =	stream.linear.gather [hbm4b:s1+s2], $0x8000, $0x38;
	[tilespmem:$0x18000] =	vst v63  }
0x109: {  	s6 =	rddreg [dreg:$0xa]  }
0x10a: {  	[hbm4b:s6+s2] =	stream.linear.scatter [tilespmem:s14], [sflag:$0x3], $0x8000, $0x38;
	[tilespmem:$0x18000] =	vst v63  }
0x10b: {  	s1 =	rddreg [dreg:$0xb]  }
0x10c: {  	[hbm4b:s1+s2] =	stream.linear.scatter [tilespmem:s14], [sflag:$0x3], $0x8000, $0x38;
	[tilespmem:$0x18000] =	vst v63  }
0x10d: {  	s6 =	rddreg [dreg:$0xc]  }
0x10e: {  	[hbm4b:s6+s2] =	stream.linear.scatter [tilespmem:s14], [sflag:$0x3], $0x8000, $0x38;
	[tilespmem:$0x18000] =	vst v63  }
0x10f: {  	s1 =	rddreg [dreg:$0xd]  }
0x110: {  	[hbm4b:s1+s2] =	stream.linear.scatter [tilespmem:s14], [sflag:$0x3], $0x8000, $0x38;
	[tilespmem:$0x18000] =	vst v63  }
0x111: {  	_ =	swait.ge [sflag:s20], $0x8000  }
0x112: {  	[sflag:s20] =	ssyncset.done $0x0  }
0x113: {  	[sflag:s20] =	ssyncadd.s32 $0xFFFF8000  }
0x114: {  	_ =	swait.ge [sflag:s3], $0x8000  }
0x115: {  	[sflag:s3] =	ssyncset.done $0x0  }
0x116: {  	[sflag:s3] =	ssyncadd.s32 $0xFFFF8000  }
0x117: {  	_ =	swait.ge [sflag:s3], $0x8000  }
0x118: {  	[sflag:s3] =	ssyncset.done $0x0  }
0x119: {  	[sflag:s3] =	ssyncadd.s32 $0xFFFF8000  }
0x11a: {  	_ =	swait.ge [sflag:s3], $0x8000  }
0x11b: {  	[sflag:s3] =	ssyncset.done $0x0  }
0x11c: {  	[sflag:s3] =	ssyncadd.s32 $0xFFFF8000  }
0x11d: {  	_ =	swait.ge [sflag:s3], $0x8000  }
0x11e: {  	[sflag:s3] =	ssyncset.done $0x0  }
0x11f: {  	s1 =	rddreg [dreg:$0xe];
	[sflag:s3] =	ssyncadd.s32 $0xFFFF8000  }
0x120: {  	[tilespmem:s14], [sflag:$0x1] =	stream.linear.gather [hbm4b:s1+s2], $0x8000, $0x38;
	[tilespmem:$0x18000] =	vst v63  }
0x121: {  	s6 =	rddreg [dreg:$0xf]  }
0x122: {  	[hbm4b:s6+s2] =	stream.linear.scatter [tilespmem:s26], [sflag:$0x4], $0x8000, $0x38;
	[tilespmem:$0x18000] =	vst v63  }
0x123: {  	s1 =	rddreg [dreg:$0x10]  }
0x124: {  	[hbm4b:s1+s2] =	stream.linear.scatter [tilespmem:s26], [sflag:$0x4], $0x8000, $0x38;
	[tilespmem:$0x18000] =	vst v63  }
0x125: {  	s6 =	rddreg [dreg:$0x11]  }
0x126: {  	[hbm4b:s6+s2] =	stream.linear.scatter [tilespmem:s26], [sflag:$0x4], $0x8000, $0x38;
	[tilespmem:$0x18000] =	vst v63  }
0x127: {  	s1 =	rddreg [dreg:$0x12]  }
0x128: {  	[hbm4b:s1+s2] =	stream.linear.scatter [tilespmem:s26], [sflag:$0x4], $0x8000, $0x38;
	[tilespmem:$0x18000] =	vst v63  }
0x129: {  	_ =	swait.ge [sflag:s20], $0x8000  }
0x12a: {  	[sflag:s20] =	ssyncset.done $0x0  }
0x12b: {  	[sflag:s20] =	ssyncadd.s32 $0xFFFF8000  }
0x12c: {  	_ =	swait.ge [sflag:s5], $0x8000  }
0x12d: {  	[sflag:s5] =	ssyncset.done $0x0  }
0x12e: {  	[sflag:s5] =	ssyncadd.s32 $0xFFFF8000  }
0x12f: {  	_ =	swait.ge [sflag:s5], $0x8000  }
0x130: {  	[sflag:s5] =	ssyncset.done $0x0  }
0x131: {  	[sflag:s5] =	ssyncadd.s32 $0xFFFF8000  }
0x132: {  	_ =	swait.ge [sflag:s5], $0x8000  }
0x133: {  	[sflag:s5] =	ssyncset.done $0x0  }
0x134: {  	[sflag:s5] =	ssyncadd.s32 $0xFFFF8000  }
0x135: {  	_ =	swait.ge [sflag:s5], $0x8000  }
0x136: {  	[sflag:s5] =	ssyncset.done $0x0  }
0x137: {  	s1 =	rddreg [dreg:$0x13];
	[sflag:s5] =	ssyncadd.s32 $0xFFFF8000  }
0x138: {  	[tilespmem:s26], [sflag:$0x1] =	stream.linear.gather [hbm4b:s1+s2], $0x8000, $0x38;
	[tilespmem:$0x18000] =	vst v63  }
0x139: {  	s6 =	rddreg [dreg:$0x14]  }
0x13a: {  	[hbm4b:s6+s2] =	stream.linear.scatter [tilespmem:s2], [sflag:$0x2], $0x8000, $0x38;
	[tilespmem:$0x18000] =	vst v63  }
0x13b: {  	s6 =	smov.u32 s7  }
0x13c: {  	s7 =	smov.u32 s8;
	s8 =	smov.u32 s9;
	s9 =	smov.u32 s10  }
0x13d: {  	s10 =	smov.u32 s11;
	s11 =	smov.u32 s12;
	s12 =	smov.u32 s13  }
0x13e: {  	s13 =	smov.u32 s15;
	s15 =	smov.u32 s16;
	s16 =	smov.u32 s17  }
0x13f: {  	s17 =	smov.u32 s18;
	s18 =	smov.u32 s19;
	s19 =	smov.u32 s21  }
0x140: {  	s21 =	smov.u32 s22;
	s22 =	smov.u32 s23;
	s23 =	smov.u32 s24  }
0x141: {  	s24 =	smov.u32 s25;
	s25 =	smov.u32 s28;
	s28 =	smov.u32 s29  }
0x142: {  	[hbm4b:s28+s2] =	stream.linear.scatter [tilespmem:s2], [sflag:$0x2], $0x8000, $0x38;
	[tilespmem:$0x18000] =	vst v63  }
0x143: {  	s29 =	smov.u32 s30  }
0x144: {  	[hbm4b:s29+s2] =	stream.linear.scatter [tilespmem:s2], [sflag:$0x2], $0x8000, $0x38;
	[tilespmem:$0x18000] =	vst v63  }
0x145: {  	_ = 	snop  }
0x146: {  	[hbm4b:s31+s2] =	stream.linear.scatter [tilespmem:s2], [sflag:$0x2], $0x8000, $0x38;
	[tilespmem:$0x18000] =	vst v63  }
0x147: {  	_ =	swait.ge [sflag:s20], $0x8000  }
0x148: {  	[sflag:s20] =	ssyncset.done $0x0  }
0x149: {  	[sflag:s20] =	ssyncadd.s32 $0xFFFF8000  }
0x14a: {  	_ =	swait.ge [sflag:s4], $0x8000  }
0x14b: {  	[sflag:s4] =	ssyncset.done $0x0  }
0x14c: {  	[sflag:s4] =	ssyncadd.s32 $0xFFFF8000  }
0x14d: {  	_ =	swait.ge [sflag:s4], $0x8000  }
0x14e: {  	[sflag:s4] =	ssyncset.done $0x0  }
0x14f: {  	[sflag:s4] =	ssyncadd.s32 $0xFFFF8000  }
0x150: {  	_ =	swait.ge [sflag:s4], $0x8000  }
0x151: {  	[sflag:s4] =	ssyncset.done $0x0  }
0x152: {  	[sflag:s4] =	ssyncadd.s32 $0xFFFF8000  }
0x153: {  	_ =	swait.ge [sflag:s4], $0x8000  }
0x154: {  	[sflag:s4] =	ssyncset.done $0x0  }
0x155: {  	[sflag:s4] =	ssyncadd.s32 $0xFFFF8000  }
0x156: {  	[tilespmem:s2], [sflag:$0x1] =	stream.linear.gather [hbm4b:s21+s2], $0x8000, $0x38;
	[tilespmem:$0x18000] =	vst v63  }
0x157: {  	_ = 	snop  }
0x158: {  	[hbm4b:s22+s2] =	stream.linear.scatter [tilespmem:s14], [sflag:$0x3], $0x8000, $0x38;
	[tilespmem:$0x18000] =	vst v63  }
0x159: {  	_ = 	snop  }
0x15a: {  	[hbm4b:s23+s2] =	stream.linear.scatter [tilespmem:s14], [sflag:$0x3], $0x8000, $0x38;
	[tilespmem:$0x18000] =	vst v63  }
0x15b: {  	_ = 	snop  }
0x15c: {  	[hbm4b:s24+s2] =	stream.linear.scatter [tilespmem:s14], [sflag:$0x3], $0x8000, $0x38;
	[tilespmem:$0x18000] =	vst v63  }
0x15d: {  	_ = 	snop  }
0x15e: {  	[hbm4b:s25+s2] =	stream.linear.scatter [tilespmem:s14], [sflag:$0x3], $0x8000, $0x38;
	[tilespmem:$0x18000] =	vst v63  }
0x15f: {  	_ =	swait.ge [sflag:s20], $0x8000  }
0x160: {  	[sflag:s20] =	ssyncset.done $0x0  }
0x161: {  	[sflag:s20] =	ssyncadd.s32 $0xFFFF8000  }
0x162: {  	_ =	swait.ge [sflag:s3], $0x8000  }
0x163: {  	[sflag:s3] =	ssyncset.done $0x0  }
0x164: {  	[sflag:s3] =	ssyncadd.s32 $0xFFFF8000  }
0x165: {  	_ =	swait.ge [sflag:s3], $0x8000  }
0x166: {  	[sflag:s3] =	ssyncset.done $0x0  }
0x167: {  	[sflag:s3] =	ssyncadd.s32 $0xFFFF8000  }
0x168: {  	_ =	swait.ge [sflag:s3], $0x8000  }
0x169: {  	[sflag:s3] =	ssyncset.done $0x0  }
0x16a: {  	[sflag:s3] =	ssyncadd.s32 $0xFFFF8000  }
0x16b: {  	_ =	swait.ge [sflag:s3], $0x8000  }
0x16c: {  	[sflag:s3] =	ssyncset.done $0x0  }
0x16d: {  	[sflag:s3] =	ssyncadd.s32 $0xFFFF8000  }
0x16e: {  	[tilespmem:s14], [sflag:$0x1] =	stream.linear.gather [hbm4b:s15+s2], $0x8000, $0x38;
	[tilespmem:$0x18000] =	vst v63  }
0x16f: {  	_ = 	snop  }
0x170: {  	[hbm4b:s16+s2] =	stream.linear.scatter [tilespmem:s26], [sflag:$0x4], $0x8000, $0x38;
	[tilespmem:$0x18000] =	vst v63  }
0x171: {  	_ = 	snop  }
0x172: {  	[hbm4b:s17+s2] =	stream.linear.scatter [tilespmem:s26], [sflag:$0x4], $0x8000, $0x38;
	[tilespmem:$0x18000] =	vst v63  }
0x173: {  	_ = 	snop  }
0x174: {  	[hbm4b:s18+s2] =	stream.linear.scatter [tilespmem:s26], [sflag:$0x4], $0x8000, $0x38;
	[tilespmem:$0x18000] =	vst v63  }
0x175: {  	_ = 	snop  }
0x176: {  	[hbm4b:s19+s2] =	stream.linear.scatter [tilespmem:s26], [sflag:$0x4], $0x8000, $0x38;
	[tilespmem:$0x18000] =	vst v63  }
0x177: {  	_ =	swait.ge [sflag:s20], $0x8000  }
0x178: {  	[sflag:s20] =	ssyncset.done $0x0  }
0x179: {  	[sflag:s20] =	ssyncadd.s32 $0xFFFF8000  }
0x17a: {  	[hbm4b:s10+s2] =	stream.linear.scatter [tilespmem:s2], [sflag:$0x2], $0x8000, $0x38;
	[tilespmem:$0x18000] =	vst v63  }
0x17b: {  	_ = 	snop  }
0x17c: {  	[hbm4b:s11+s2] =	stream.linear.scatter [tilespmem:s2], [sflag:$0x2], $0x8000, $0x38;
	[tilespmem:$0x18000] =	vst v63  }
0x17d: {  	_ = 	snop  }
0x17e: {  	[hbm4b:s12+s2] =	stream.linear.scatter [tilespmem:s2], [sflag:$0x2], $0x8000, $0x38;
	[tilespmem:$0x18000] =	vst v63  }
0x17f: {  	_ = 	snop  }
0x180: {  	[hbm4b:s13+s2] =	stream.linear.scatter [tilespmem:s2], [sflag:$0x2], $0x8000, $0x38;
	[tilespmem:$0x18000] =	vst v63  }
0x181: {  	_ =	swait.ge [sflag:s20], $0x8000  }
0x182: {  	[sflag:s20] =	ssyncset.done $0x0  }
0x183: {  	[sflag:s20] =	ssyncadd.s32 $0xFFFF8000  }
0x184: {  	[hbm4b:s6+s2] =	stream.linear.scatter [tilespmem:s14], [sflag:$0x3], $0x8000, $0x38;
	[tilespmem:$0x18000] =	vst v63  }
0x185: {  	_ = 	snop  }
0x186: {  	[hbm4b:s7+s2] =	stream.linear.scatter [tilespmem:s14], [sflag:$0x3], $0x8000, $0x38;
	[tilespmem:$0x18000] =	vst v63  }
0x187: {  	_ = 	snop  }
0x188: {  	[hbm4b:s8+s2] =	stream.linear.scatter [tilespmem:s14], [sflag:$0x3], $0x8000, $0x38;
	[tilespmem:$0x18000] =	vst v63  }
0x189: {  	_ = 	snop  }
0x18a: {  	[hbm4b:s9+s2] =	stream.linear.scatter [tilespmem:s14], [sflag:$0x3], $0x8000, $0x38;
	[tilespmem:$0x18000] =	vst v63  }
0x18b: {  	_ =	swait.ge [sflag:s5], $0x8000  }
0x18c: {  	[sflag:s5] =	ssyncset.done $0x0  }
0x18d: {  	[sflag:s5] =	ssyncadd.s32 $0xFFFF8000  }
0x18e: {  	_ =	swait.ge [sflag:s5], $0x8000  }
0x18f: {  	[sflag:s5] =	ssyncset.done $0x0  }
0x190: {  	[sflag:s5] =	ssyncadd.s32 $0xFFFF8000  }
0x191: {  	_ =	swait.ge [sflag:s5], $0x8000  }
0x192: {  	[sflag:s5] =	ssyncset.done $0x0  }
0x193: {  	[sflag:s5] =	ssyncadd.s32 $0xFFFF8000  }
0x194: {  	_ =	swait.ge [sflag:s5], $0x8000  }
0x195: {  	[sflag:s5] =	ssyncset.done $0x0  }
0x196: {  	[sflag:s5] =	ssyncadd.s32 $0xFFFF8000  }
0x197: {  	_ =	swait.ge [sflag:s4], $0x8000  }
0x198: {  	[sflag:s4] =	ssyncset.done $0x0  }
0x199: {  	[sflag:s4] =	ssyncadd.s32 $0xFFFF8000  }
0x19a: {  	_ =	swait.ge [sflag:s4], $0x8000  }
0x19b: {  	[sflag:s4] =	ssyncset.done $0x0  }
0x19c: {  	[sflag:s4] =	ssyncadd.s32 $0xFFFF8000  }
0x19d: {  	_ =	swait.ge [sflag:s4], $0x8000  }
0x19e: {  	[sflag:s4] =	ssyncset.done $0x0  }
0x19f: {  	[sflag:s4] =	ssyncadd.s32 $0xFFFF8000  }
0x1a0: {  	_ =	swait.ge [sflag:s4], $0x8000  }
0x1a1: {  	[sflag:s4] =	ssyncset.done $0x0  }
0x1a2: {  	[sflag:s4] =	ssyncadd.s32 $0xFFFF8000  }
0x1a3: {  	_ =	swait.ge [sflag:s3], $0x8000  }
0x1a4: {  	[sflag:s3] =	ssyncset.done $0x0  }
0x1a5: {  	[sflag:s3] =	ssyncadd.s32 $0xFFFF8000  }
0x1a6: {  	_ =	swait.ge [sflag:s3], $0x8000  }
0x1a7: {  	[sflag:s3] =	ssyncset.done $0x0  }
0x1a8: {  	p1 =	sne.s32 s0, $0x1;
	[sflag:s3] =	ssyncadd.s32 $0xFFFF8000  }
.Ltmp2:
0x1a9: {  	_ =	swait.ge [sflag:s3], $0x8000;
	(pc) =	sbr.rel @p1 .LBB2_3-.Ltmp2, $4  }
0x1aa: {  	[sflag:s3] =	ssyncset.done $0x0  }
0x1ab: {  	[sflag:s3] =	ssyncadd.s32 $0xFFFF8000  }
0x1ac: {  	s0 =	sadd.s32 $0xFFFFFFFF, s0;
	_ =	swait.ge [sflag:s3], $0x8000  }
0x1ad: {  	s30 =	smov.u32 s31;
	s1 =	rddreg [dreg:$0x3];
	[sflag:s3] =	ssyncset.done $0x0  }
0x1ae: {  	s31 =	rddreg [dreg:$0x15]  }
.LBB2_5:
0x1af: {  	[sflag:s3] =	ssyncadd.s32 @p0 $0xFFFF8000  }
0x1b0: {  	[tilespmem:s2], [sflag:$0x1] =	stream.linear.gather [hbm4b:s1+s2], $0x8000, $0x38;
	[tilespmem:$0x18000] =	vst v63  }
0x1b1: {  	s0 =	rddreg [dreg:$0x4]  }
0x1b2: {  	[tilespmem:s14], [sflag:$0x1] =	stream.linear.gather [hbm4b:s0+s2], $0x8000, $0x38;
	[tilespmem:$0x18000] =	vst v63  }
0x1b3: {  	_ =	swait.ge [sflag:s20], $0x8000  }
0x1b4: {  	[sflag:s20] =	ssyncset.done $0x0  }
0x1b5: {  	s1 =	rddreg [dreg:$0x5];
	[sflag:s20] =	ssyncadd.s32 $0xFFFF8000  }
0x1b6: {  	[tilespmem:s26], [sflag:$0x1] =	stream.linear.gather [hbm4b:s1+s2], $0x8000, $0x38;
	[tilespmem:$0x18000] =	vst v63  }
0x1b7: {  	_ = 	snop  }
0x1b8: {  	[hbm4b:s31+s2] =	stream.linear.scatter [tilespmem:s2], [sflag:$0x2], $0x8000, $0x38;
	[tilespmem:$0x18000] =	vst v63  }
0x1b9: {  	s0 =	rddreg [dreg:$0x6]  }
0x1ba: {  	[hbm4b:s0+s2] =	stream.linear.scatter [tilespmem:s2], [sflag:$0x2], $0x8000, $0x38;
	[tilespmem:$0x18000] =	vst v63  }
0x1bb: {  	s1 =	rddreg [dreg:$0x7]  }
0x1bc: {  	[hbm4b:s1+s2] =	stream.linear.scatter [tilespmem:s2], [sflag:$0x2], $0x8000, $0x38;
	[tilespmem:$0x18000] =	vst v63  }
0x1bd: {  	s31 =	rddreg [dreg:$0x8]  }
0x1be: {  	[hbm4b:s31+s2] =	stream.linear.scatter [tilespmem:s2], [sflag:$0x2], $0x8000, $0x38;
	[tilespmem:$0x18000] =	vst v63  }
0x1bf: {  	_ =	swait.ge [sflag:s20], $0x8000  }
0x1c0: {  	[sflag:s20] =	ssyncset.done $0x0  }
0x1c1: {  	[sflag:s20] =	ssyncadd.s32 $0xFFFF8000  }
0x1c2: {  	_ =	swait.ge [sflag:s4], $0x8000  }
0x1c3: {  	[sflag:s4] =	ssyncset.done $0x0  }
0x1c4: {  	[sflag:s4] =	ssyncadd.s32 $0xFFFF8000  }
0x1c5: {  	_ =	swait.ge [sflag:s4], $0x8000  }
0x1c6: {  	[sflag:s4] =	ssyncset.done $0x0  }
0x1c7: {  	[sflag:s4] =	ssyncadd.s32 $0xFFFF8000  }
0x1c8: {  	_ =	swait.ge [sflag:s4], $0x8000  }
0x1c9: {  	[sflag:s4] =	ssyncset.done $0x0  }
0x1ca: {  	[sflag:s4] =	ssyncadd.s32 $0xFFFF8000  }
0x1cb: {  	_ =	swait.ge [sflag:s4], $0x8000  }
0x1cc: {  	[sflag:s4] =	ssyncset.done $0x0  }
0x1cd: {  	s31 =	rddreg [dreg:$0x9];
	[sflag:s4] =	ssyncadd.s32 $0xFFFF8000  }
0x1ce: {  	[tilespmem:s2], [sflag:$0x1] =	stream.linear.gather [hbm4b:s31+s2], $0x8000, $0x38;
	[tilespmem:$0x18000] =	vst v63  }
0x1cf: {  	s1 =	rddreg [dreg:$0xa]  }
0x1d0: {  	[hbm4b:s1+s2] =	stream.linear.scatter [tilespmem:s14], [sflag:$0x3], $0x8000, $0x38;
	[tilespmem:$0x18000] =	vst v63  }
0x1d1: {  	s31 =	rddreg [dreg:$0xb]  }
0x1d2: {  	[hbm4b:s31+s2] =	stream.linear.scatter [tilespmem:s14], [sflag:$0x3], $0x8000, $0x38;
	[tilespmem:$0x18000] =	vst v63  }
0x1d3: {  	s1 =	rddreg [dreg:$0xc]  }
0x1d4: {  	[hbm4b:s1+s2] =	stream.linear.scatter [tilespmem:s14], [sflag:$0x3], $0x8000, $0x38;
	[tilespmem:$0x18000] =	vst v63  }
0x1d5: {  	s31 =	rddreg [dreg:$0xd]  }
0x1d6: {  	[hbm4b:s31+s2] =	stream.linear.scatter [tilespmem:s14], [sflag:$0x3], $0x8000, $0x38;
	[tilespmem:$0x18000] =	vst v63  }
0x1d7: {  	_ =	swait.ge [sflag:s20], $0x8000  }
0x1d8: {  	[sflag:s20] =	ssyncset.done $0x0  }
0x1d9: {  	[sflag:s20] =	ssyncadd.s32 $0xFFFF8000  }
0x1da: {  	_ =	swait.ge [sflag:s3], $0x8000  }
0x1db: {  	[sflag:s3] =	ssyncset.done $0x0  }
0x1dc: {  	[sflag:s3] =	ssyncadd.s32 $0xFFFF8000  }
0x1dd: {  	_ =	swait.ge [sflag:s3], $0x8000  }
0x1de: {  	[sflag:s3] =	ssyncset.done $0x0  }
0x1df: {  	[sflag:s3] =	ssyncadd.s32 $0xFFFF8000  }
0x1e0: {  	_ =	swait.ge [sflag:s3], $0x8000  }
0x1e1: {  	[sflag:s3] =	ssyncset.done $0x0  }
0x1e2: {  	[sflag:s3] =	ssyncadd.s32 $0xFFFF8000  }
0x1e3: {  	_ =	swait.ge [sflag:s3], $0x8000  }
0x1e4: {  	[sflag:s3] =	ssyncset.done $0x0  }
0x1e5: {  	s31 =	rddreg [dreg:$0xe];
	[sflag:s3] =	ssyncadd.s32 $0xFFFF8000  }
0x1e6: {  	[tilespmem:s14], [sflag:$0x1] =	stream.linear.gather [hbm4b:s31+s2], $0x8000, $0x38;
	[tilespmem:$0x18000] =	vst v63  }
0x1e7: {  	s1 =	rddreg [dreg:$0xf]  }
0x1e8: {  	[hbm4b:s1+s2] =	stream.linear.scatter [tilespmem:s26], [sflag:$0x4], $0x8000, $0x38;
	[tilespmem:$0x18000] =	vst v63  }
0x1e9: {  	s31 =	rddreg [dreg:$0x10]  }
0x1ea: {  	[hbm4b:s31+s2] =	stream.linear.scatter [tilespmem:s26], [sflag:$0x4], $0x8000, $0x38;
	[tilespmem:$0x18000] =	vst v63  }
0x1eb: {  	s1 =	rddreg [dreg:$0x11]  }
0x1ec: {  	[hbm4b:s1+s2] =	stream.linear.scatter [tilespmem:s26], [sflag:$0x4], $0x8000, $0x38;
	[tilespmem:$0x18000] =	vst v63  }
0x1ed: {  	s31 =	rddreg [dreg:$0x12]  }
0x1ee: {  	[hbm4b:s31+s2] =	stream.linear.scatter [tilespmem:s26], [sflag:$0x4], $0x8000, $0x38;
	[tilespmem:$0x18000] =	vst v63  }
0x1ef: {  	_ =	swait.ge [sflag:s20], $0x8000  }
0x1f0: {  	[sflag:s20] =	ssyncset.done $0x0  }
0x1f1: {  	[sflag:s20] =	ssyncadd.s32 $0xFFFF8000  }
0x1f2: {  	_ =	swait.ge [sflag:s5], $0x8000  }
0x1f3: {  	[sflag:s5] =	ssyncset.done $0x0  }
0x1f4: {  	[sflag:s5] =	ssyncadd.s32 $0xFFFF8000  }
0x1f5: {  	_ =	swait.ge [sflag:s5], $0x8000  }
0x1f6: {  	[sflag:s5] =	ssyncset.done $0x0  }
0x1f7: {  	[sflag:s5] =	ssyncadd.s32 $0xFFFF8000  }
0x1f8: {  	_ =	swait.ge [sflag:s5], $0x8000  }
0x1f9: {  	[sflag:s5] =	ssyncset.done $0x0  }
0x1fa: {  	[sflag:s5] =	ssyncadd.s32 $0xFFFF8000  }
0x1fb: {  	_ =	swait.ge [sflag:s5], $0x8000  }
0x1fc: {  	[sflag:s5] =	ssyncset.done $0x0  }
0x1fd: {  	s1 =	rddreg [dreg:$0x13];
	[sflag:s5] =	ssyncadd.s32 $0xFFFF8000  }
0x1fe: {  	[tilespmem:s26], [sflag:$0x1] =	stream.linear.gather [hbm4b:s1+s2], $0x8000, $0x38;
	[tilespmem:$0x18000] =	vst v63  }
0x1ff: {  	s31 =	rddreg [dreg:$0x14]  }
0x200: {  	[hbm4b:s31+s2] =	stream.linear.scatter [tilespmem:s2], [sflag:$0x2], $0x8000, $0x38;
	[tilespmem:$0x18000] =	vst v63  }
0x201: {  	_ = 	snop  }
0x202: {  	[hbm4b:s28+s2] =	stream.linear.scatter [tilespmem:s2], [sflag:$0x2], $0x8000, $0x38;
	[tilespmem:$0x18000] =	vst v63  }
0x203: {  	_ = 	snop  }
0x204: {  	[hbm4b:s29+s2] =	stream.linear.scatter [tilespmem:s2], [sflag:$0x2], $0x8000, $0x38;
	[tilespmem:$0x18000] =	vst v63  }
0x205: {  	_ = 	snop  }
0x206: {  	[hbm4b:s30+s2] =	stream.linear.scatter [tilespmem:s2], [sflag:$0x2], $0x8000, $0x38;
	[tilespmem:$0x18000] =	vst v63  }
0x207: {  	_ =	swait.ge [sflag:s20], $0x8000  }
0x208: {  	[sflag:s20] =	ssyncset.done $0x0  }
0x209: {  	[sflag:s20] =	ssyncadd.s32 $0xFFFF8000  }
0x20a: {  	_ =	swait.ge [sflag:s4], $0x8000  }
0x20b: {  	[sflag:s4] =	ssyncset.done $0x0  }
0x20c: {  	[sflag:s4] =	ssyncadd.s32 $0xFFFF8000  }
0x20d: {  	_ =	swait.ge [sflag:s4], $0x8000  }
0x20e: {  	[sflag:s4] =	ssyncset.done $0x0  }
0x20f: {  	[sflag:s4] =	ssyncadd.s32 $0xFFFF8000  }
0x210: {  	_ =	swait.ge [sflag:s4], $0x8000  }
0x211: {  	[sflag:s4] =	ssyncset.done $0x0  }
0x212: {  	[sflag:s4] =	ssyncadd.s32 $0xFFFF8000  }
0x213: {  	_ =	swait.ge [sflag:s4], $0x8000  }
0x214: {  	[sflag:s4] =	ssyncset.done $0x0  }
0x215: {  	[sflag:s4] =	ssyncadd.s32 $0xFFFF8000  }
0x216: {  	[tilespmem:s2], [sflag:$0x1] =	stream.linear.gather [hbm4b:s21+s2], $0x8000, $0x38;
	[tilespmem:$0x18000] =	vst v63  }
0x217: {  	_ = 	snop  }
0x218: {  	[hbm4b:s22+s2] =	stream.linear.scatter [tilespmem:s14], [sflag:$0x3], $0x8000, $0x38;
	[tilespmem:$0x18000] =	vst v63  }
0x219: {  	_ = 	snop  }
0x21a: {  	[hbm4b:s23+s2] =	stream.linear.scatter [tilespmem:s14], [sflag:$0x3], $0x8000, $0x38;
	[tilespmem:$0x18000] =	vst v63  }
0x21b: {  	_ = 	snop  }
0x21c: {  	[hbm4b:s24+s2] =	stream.linear.scatter [tilespmem:s14], [sflag:$0x3], $0x8000, $0x38;
	[tilespmem:$0x18000] =	vst v63  }
0x21d: {  	_ = 	snop  }
0x21e: {  	[hbm4b:s25+s2] =	stream.linear.scatter [tilespmem:s14], [sflag:$0x3], $0x8000, $0x38;
	[tilespmem:$0x18000] =	vst v63  }
0x21f: {  	_ =	swait.ge [sflag:s20], $0x8000  }
0x220: {  	[sflag:s20] =	ssyncset.done $0x0  }
0x221: {  	[sflag:s20] =	ssyncadd.s32 $0xFFFF8000  }
0x222: {  	_ =	swait.ge [sflag:s3], $0x8000  }
0x223: {  	[sflag:s3] =	ssyncset.done $0x0  }
0x224: {  	[sflag:s3] =	ssyncadd.s32 $0xFFFF8000  }
0x225: {  	_ =	swait.ge [sflag:s3], $0x8000  }
0x226: {  	[sflag:s3] =	ssyncset.done $0x0  }
0x227: {  	[sflag:s3] =	ssyncadd.s32 $0xFFFF8000  }
0x228: {  	_ =	swait.ge [sflag:s3], $0x8000  }
0x229: {  	[sflag:s3] =	ssyncset.done $0x0  }
0x22a: {  	[sflag:s3] =	ssyncadd.s32 $0xFFFF8000  }
0x22b: {  	_ =	swait.ge [sflag:s3], $0x8000  }
0x22c: {  	[sflag:s3] =	ssyncset.done $0x0  }
0x22d: {  	[sflag:s3] =	ssyncadd.s32 $0xFFFF8000  }
0x22e: {  	[tilespmem:s14], [sflag:$0x1] =	stream.linear.gather [hbm4b:s15+s2], $0x8000, $0x38;
	[tilespmem:$0x18000] =	vst v63  }
0x22f: {  	_ = 	snop  }
0x230: {  	[hbm4b:s16+s2] =	stream.linear.scatter [tilespmem:s26], [sflag:$0x4], $0x8000, $0x38;
	[tilespmem:$0x18000] =	vst v63  }
0x231: {  	_ = 	snop  }
0x232: {  	[hbm4b:s17+s2] =	stream.linear.scatter [tilespmem:s26], [sflag:$0x4], $0x8000, $0x38;
	[tilespmem:$0x18000] =	vst v63  }
0x233: {  	_ = 	snop  }
0x234: {  	[hbm4b:s18+s2] =	stream.linear.scatter [tilespmem:s26], [sflag:$0x4], $0x8000, $0x38;
	[tilespmem:$0x18000] =	vst v63  }
0x235: {  	_ = 	snop  }
0x236: {  	[hbm4b:s19+s2] =	stream.linear.scatter [tilespmem:s26], [sflag:$0x4], $0x8000, $0x38;
	[tilespmem:$0x18000] =	vst v63  }
0x237: {  	_ =	swait.ge [sflag:s20], $0x8000  }
0x238: {  	[sflag:s20] =	ssyncset.done $0x0  }
0x239: {  	[sflag:s20] =	ssyncadd.s32 $0xFFFF8000  }
0x23a: {  	[hbm4b:s10+s2] =	stream.linear.scatter [tilespmem:s2], [sflag:$0x2], $0x8000, $0x38;
	[tilespmem:$0x18000] =	vst v63  }
0x23b: {  	_ = 	snop  }
0x23c: {  	[hbm4b:s11+s2] =	stream.linear.scatter [tilespmem:s2], [sflag:$0x2], $0x8000, $0x38;
	[tilespmem:$0x18000] =	vst v63  }
0x23d: {  	_ = 	snop  }
0x23e: {  	[hbm4b:s12+s2] =	stream.linear.scatter [tilespmem:s2], [sflag:$0x2], $0x8000, $0x38;
	[tilespmem:$0x18000] =	vst v63  }
0x23f: {  	_ = 	snop  }
0x240: {  	[hbm4b:s13+s2] =	stream.linear.scatter [tilespmem:s2], [sflag:$0x2], $0x8000, $0x38;
	[tilespmem:$0x18000] =	vst v63  }
0x241: {  	_ =	swait.ge [sflag:s20], $0x8000  }
0x242: {  	[sflag:s20] =	ssyncset.done $0x0  }
0x243: {  	[sflag:s20] =	ssyncadd.s32 $0xFFFF8000  }
0x244: {  	[hbm4b:s6+s2] =	stream.linear.scatter [tilespmem:s14], [sflag:$0x3], $0x8000, $0x38;
	[tilespmem:$0x18000] =	vst v63  }
0x245: {  	_ = 	snop  }
0x246: {  	[hbm4b:s7+s2] =	stream.linear.scatter [tilespmem:s14], [sflag:$0x3], $0x8000, $0x38;
	[tilespmem:$0x18000] =	vst v63  }
0x247: {  	_ = 	snop  }
0x248: {  	[hbm4b:s8+s2] =	stream.linear.scatter [tilespmem:s14], [sflag:$0x3], $0x8000, $0x38;
	[tilespmem:$0x18000] =	vst v63  }
0x249: {  	_ = 	snop  }
0x24a: {  	[hbm4b:s9+s2] =	stream.linear.scatter [tilespmem:s14], [sflag:$0x3], $0x8000, $0x38;
	[tilespmem:$0x18000] =	vst v63  }
0x24b: {  	_ =	swait.ge [sflag:s5], $0x8000  }
0x24c: {  	[sflag:s5] =	ssyncset.done $0x0  }
0x24d: {  	[sflag:s5] =	ssyncadd.s32 $0xFFFF8000  }
0x24e: {  	_ =	swait.ge [sflag:s5], $0x8000  }
0x24f: {  	[sflag:s5] =	ssyncset.done $0x0  }
0x250: {  	[sflag:s5] =	ssyncadd.s32 $0xFFFF8000  }
0x251: {  	_ =	swait.ge [sflag:s5], $0x8000  }
0x252: {  	[sflag:s5] =	ssyncset.done $0x0  }
0x253: {  	[sflag:s5] =	ssyncadd.s32 $0xFFFF8000  }
0x254: {  	_ =	swait.ge [sflag:s5], $0x8000  }
0x255: {  	[sflag:s5] =	ssyncset.done $0x0  }
0x256: {  	[sflag:s5] =	ssyncadd.s32 $0xFFFF8000  }
0x257: {  	_ =	swait.ge [sflag:s4], $0x8000  }
0x258: {  	[sflag:s4] =	ssyncset.done $0x0  }
0x259: {  	[sflag:s4] =	ssyncadd.s32 $0xFFFF8000  }
0x25a: {  	_ =	swait.ge [sflag:s4], $0x8000  }
0x25b: {  	[sflag:s4] =	ssyncset.done $0x0  }
0x25c: {  	[sflag:s4] =	ssyncadd.s32 $0xFFFF8000  }
0x25d: {  	_ =	swait.ge [sflag:s4], $0x8000  }
0x25e: {  	[sflag:s4] =	ssyncset.done $0x0  }
0x25f: {  	[sflag:s4] =	ssyncadd.s32 $0xFFFF8000  }
0x260: {  	_ =	swait.ge [sflag:s4], $0x8000  }
0x261: {  	[sflag:s4] =	ssyncset.done $0x0  }
0x262: {  	[sflag:s4] =	ssyncadd.s32 $0xFFFF8000  }
0x263: {  	_ =	swait.ge [sflag:s3], $0x8000  }
0x264: {  	[sflag:s3] =	ssyncset.done $0x0  }
0x265: {  	[sflag:s3] =	ssyncadd.s32 $0xFFFF8000  }
0x266: {  	_ =	swait.ge [sflag:s3], $0x8000  }
0x267: {  	[sflag:s3] =	ssyncset.done $0x0  }
0x268: {  	[sflag:s3] =	ssyncadd.s32 $0xFFFF8000  }
0x269: {  	_ =	swait.ge [sflag:s3], $0x8000  }
0x26a: {  	[sflag:s3] =	ssyncset.done $0x0  }
0x26b: {  	[sflag:s3] =	ssyncadd.s32 $0xFFFF8000  }
0x26c: {  	_ =	swait.ge [sflag:s3], $0x8000  }
0x26d: {  	[sflag:s3] =	ssyncset.done $0x0  }
0x26e: {  	[sflag:s3] =	ssyncadd.s32 $0xFFFF8000  }
0x26f: {  	_ =	sfence.sel $0x180000  }
0x270: {  	[bflag:$0x0] =	sbarrier.arrive $0xFFFF  }
0x271: {  	_ =	strace $0x90000047  }
0x272: {  	s31 =	stileid.u32;
	[bflag:$0x2] =	sbarrier.arrive $0xFFFF  }
0x273: {  	p0 =	sne.s32 s31, $0x0;
	s0 =	rddreg [dreg:$0x2]  }
0x274: {  	s0 =	sadd.s32 @!p0 $0x100000, s0  }
0x275: {  	[sflag:s0] =	ssyncadd.tile.s32 @!p0 $0x1;
	_ =	shalt  }
.LBB2_2:
.Ltmp3:
0x276: {  	(pc) =	sbr.rel .LBB2_5-.Ltmp3, $2  }
0x277: {  	_ =	sdelay $0x2  }
0x278: {  	s31 =	rddreg [dreg:$0x15]  }
.Lfunc_end2:
_tile_overlayer_lowered:
.L_overlay_start_2:
0x279: {  	(tag) =	ssettag $0x2  }
0x27a: {  	s0 =	rddreg [dreg:$0x0];
	s2 =	stileid.u32  }
0x27b: {  	s1 =	rddreg [dreg:$0x1];
	p0 =	sne.s32 s2, $0x0  }
0x27c: {  	s3 =	rddreg [dreg:$0x2];
	[bflag:$0x3] =	sbarrier.arrive $0xFFFF;
	s2 =	simm.s32 @!p0 $0x1C05  }
0x27d: {  	[timem:s3], [sflag:s2] =	dma.local @!p0 [hbm:s0], s1  }
0x27e: {  	s0 =	simm.s32 @!p0 $0x5  }
0x27f: {  	_ =	swait.ge @!p0 [sflag:s0], s1  }
0x280: {  	s1 =	ssub.s32 @!p0 $0x0, s1;
	[sflag:s0] =	ssyncset.done @!p0 $0x0  }
0x281: {  	[sflag:s0] =	ssyncadd.s32 @!p0 s1  }
0x282: {  	[bflag:$0x3] =	sbarrier.arrive $0xFFFF  }
0x283: {  	_ =	shalt  }

</sc_bundles>
